<compile_context>
chip_gen: v7x
topology: tpu7x:2x2x1
jax: 0.10.2.dev20260603
libtpu: 0.0.44.dev20260713+nightly
codegen_flags: <defaults>
</compile_context>

<pallas_src>
import functools

import jax
import jax.numpy as jnp
from jax import lax
from jax.experimental import pallas as pl
from jax.experimental.pallas import tpu as pltpu
from jax.experimental.pallas import tpu_sc as plsc

_B, _N, _K = 4, 4096, 16
_NK = _N * _K
_TQ = 512
_CH = 8192
_EPS = 1e-5

_NW = 32
_PW = (_B * _N) // _NW
_WPB = _N // _PW


def _knn_body(q_ref, c_ref, idx_ref):
    q = q_ref[0]
    c = c_ref[0]
    dot = lax.dot_general(q, c, (((1,), (0,)), ((), ())),
                          preferred_element_type=jnp.float32)
    sq_q = jnp.sum(q * q, axis=1, keepdims=True)
    sq_c = jnp.sum(c * c, axis=0, keepdims=True)
    dist = (sq_q - 2.0 * dot) + sq_c
    lane = lax.broadcasted_iota(jnp.int32, (_TQ, _N), 1)
    kl = lax.broadcasted_iota(jnp.int32, (_TQ, _K), 1)
    acc = jnp.zeros((_TQ, _K), jnp.int32)
    for k in range(_K):
        ik = jnp.argmin(dist, axis=1)
        acc = jnp.where(kl == k, ik[:, None], acc)
        dist = jnp.where(lane == ik[:, None], jnp.inf, dist)
    idx_ref[0] = acc


def _knn(xyz, xyzt):
    return pl.pallas_call(
        _knn_body,
        grid=(_B, _N // _TQ),
        in_specs=[
            pl.BlockSpec((1, _TQ, 3), lambda b, t: (b, t, 0)),
            pl.BlockSpec((1, 3, _N), lambda b, t: (b, 0, 0)),
        ],
        out_specs=pl.BlockSpec((1, _TQ, _K), lambda b, t: (b, t, 0)),
        out_shape=jax.ShapeDtypeStruct((_B, _N, _K), jnp.int32),
    )(xyz, xyzt)


@functools.cache
def _make_sc_build():
    mesh = plsc.VectorSubcoreMesh(core_axis_name="c", subcore_axis_name="s")

    pwk = _PW * _K

    @functools.partial(
        pl.kernel,
        out_type=jax.ShapeDtypeStruct((_B * 10 * _NK,), jnp.float32),
        mesh=mesh,
        scratch_types=[
            pltpu.VMEM((_N,), jnp.float32),
            pltpu.VMEM((_N,), jnp.float32),
            pltpu.VMEM((_N,), jnp.float32),
            pltpu.VMEM((pwk,), jnp.int32),
            pltpu.VMEM((10 * pwk,), jnp.float32),
        ],
        compiler_params=pltpu.CompilerParams(needs_layout_passes=False),
    )
    def sc_build(xyzt_hbm, idx_hbm, s_hbm, xv, yv, zv, iv, sv):
        wid = lax.axis_index("s") * 2 + lax.axis_index("c")
        b = wid // _WPB
        n0 = (wid % _WPB) * _PW
        pltpu.sync_copy(xyzt_hbm.at[pl.ds((b * 3 + 0) * _N, _N)], xv)
        pltpu.sync_copy(xyzt_hbm.at[pl.ds((b * 3 + 1) * _N, _N)], yv)
        pltpu.sync_copy(xyzt_hbm.at[pl.ds((b * 3 + 2) * _N, _N)], zv)
        pltpu.sync_copy(idx_hbm.at[pl.ds(b * _NK + n0 * _K, pwk)], iv)

        def body(i, carry):
            qi = jnp.full((16,), n0 + i, jnp.int32)
            qx = plsc.load_gather(xv, [qi])
            qy = plsc.load_gather(yv, [qi])
            qz = plsc.load_gather(zv, [qi])
            ii = iv[pl.ds(i * _K, _K)]
            nx = plsc.load_gather(xv, [ii])
            ny = plsc.load_gather(yv, [ii])
            nz = plsc.load_gather(zv, [ii])
            rx = nx - qx
            ry = ny - qy
            rz = nz - qz
            d = rx * rx + ry * ry + rz * rz
            o = i * _K
            for c, vec in enumerate(
                    (qx, qy, qz, nx, ny, nz, rx, ry, rz, d)):
                sv[pl.ds(c * pwk + o, _K)] = vec
            return carry

        lax.fori_loop(0, _PW, body, 0)
        for c in range(10):
            pltpu.sync_copy(
                sv.at[pl.ds(c * pwk, pwk)],
                s_hbm.at[pl.ds((b * 10 + c) * _NK + n0 * _K, pwk)])

    return sc_build


def _matmul(w_ref, x):
    return lax.dot_general(
        w_ref[...], x, (((1,), (0,)), ((), ())),
        preferred_element_type=jnp.float32)


def _mom1_body(s_ref, w1_ref, out_ref):
    @pl.when((pl.program_id(0) == 0) & (pl.program_id(1) == 0))
    def _init():
        out_ref[...] = jnp.zeros_like(out_ref)

    x1 = _matmul(w1_ref, s_ref[0])
    ssum = jnp.sum(x1, axis=1, keepdims=True)
    ssq = jnp.sum(x1 * x1, axis=1, keepdims=True)
    out_ref[...] += jnp.concatenate([ssum, ssq], axis=1)


def _mom2_body(s_ref, w1_ref, w2_ref, a1_ref, b1_ref, out_ref):
    @pl.when((pl.program_id(0) == 0) & (pl.program_id(1) == 0))
    def _init():
        out_ref[...] = jnp.zeros_like(out_ref)

    x1 = _matmul(w1_ref, s_ref[0])
    h = jnp.maximum(x1 * a1_ref[...] + b1_ref[...], 0.0)
    x2 = _matmul(w2_ref, h)
    ssum = jnp.sum(x2, axis=1, keepdims=True)
    ssq = jnp.sum(x2 * x2, axis=1, keepdims=True)
    out_ref[...] += jnp.concatenate([ssum, ssq], axis=1)


def _final_body(s_ref, w1_ref, w2_ref, a1_ref, b1_ref, a2_ref, b2_ref,
                out_ref):
    x1 = _matmul(w1_ref, s_ref[0])
    h = jnp.maximum(x1 * a1_ref[...] + b1_ref[...], 0.0)
    x2 = _matmul(w2_ref, h)
    y = jnp.maximum(x2 * a2_ref[...] + b2_ref[...], 0.0)
    out_ref[0] = y.reshape(32, _CH // _K, _K)


_s_spec = pl.BlockSpec((1, 10, _CH), lambda b, j: (b, 0, j))
_w1_spec = pl.BlockSpec((32, 10), lambda b, j: (0, 0))
_w2_spec = pl.BlockSpec((32, 32), lambda b, j: (0, 0))
_v_spec = pl.BlockSpec((32, 1), lambda b, j: (0, 0))
_mom_spec = pl.BlockSpec((32, 2), lambda b, j: (0, 0))
_mom_shape = jax.ShapeDtypeStruct((32, 2), jnp.float32)
_grid = (_B, _NK // _CH)


def _mom1(s, w1):
    return pl.pallas_call(
        _mom1_body, grid=_grid,
        in_specs=[_s_spec, _w1_spec],
        out_specs=_mom_spec, out_shape=_mom_shape,
    )(s, w1)


def _mom2(s, w1, w2, a1, b1):
    return pl.pallas_call(
        _mom2_body, grid=_grid,
        in_specs=[_s_spec, _w1_spec, _w2_spec, _v_spec, _v_spec],
        out_specs=_mom_spec, out_shape=_mom_shape,
    )(s, w1, w2, a1, b1)


def _final(s, w1, w2, a1, b1, a2, b2):
    return pl.pallas_call(
        _final_body, grid=_grid,
        in_specs=[_s_spec, _w1_spec, _w2_spec, _v_spec, _v_spec, _v_spec,
                  _v_spec],
        out_specs=pl.BlockSpec((1, 32, _CH // _K, _K), lambda b, j: (b, 0, j, 0)),
        out_shape=jax.ShapeDtypeStruct((_B, 32, _N, _K), jnp.float32),
    )(s, w1, w2, a1, b1, a2, b2)


def _bn_coeffs(m, gamma, beta):
    cnt = jnp.float32(_B * _NK)
    mean = m[:, 0] / cnt
    var = m[:, 1] / cnt - mean * mean
    r = gamma / jnp.sqrt(var + _EPS)
    return r[:, None], (beta - mean * r)[:, None]


def kernel(xyz, features, W1, gamma1, beta1, W2, gamma2, beta2):
    del features
    xyzt = jnp.transpose(xyz, (0, 2, 1))
    idx = _knn(xyz, xyzt)
    s = _make_sc_build()(xyzt.reshape(-1), idx.reshape(-1))
    s = s.reshape(_B, 10, _NK)
    a1, b1 = _bn_coeffs(_mom1(s, W1), gamma1, beta1)
    a2, b2 = _bn_coeffs(_mom2(s, W1, W2, a1, b1), gamma2, beta2)
    return _final(s, W1, W2, a1, b1, a2, b2)

# --- scband reference (transcript-rebuilt; emitter-appended) ---
"""Pipeline reference for scband-local-spatial-encoding-87943750352950 (READ-ONLY COPY).

The authoritative reference and input builder live on the scoring server;
editing this copy changes nothing except your own understanding.
"""

import jax, jax.numpy as jnp
import numpy as np

B, N, K, D_IN, D_OUT = 4, 4096, 16, 64, 32


def setup_inputs(seed: int = 0) -> dict:
    key = jax.random.key(seed)
    k1, k2, k3, k4 = jax.random.split(key, 4)
    xyz = jax.random.normal(k1, (B, N, 3), dtype=jnp.float32)
    features = jax.random.normal(k2, (B, N, D_IN), dtype=jnp.float32)
    W1 = jax.random.normal(k3, (D_OUT, 10), dtype=jnp.float32) * 0.1
    W2 = jax.random.normal(k4, (D_OUT, D_OUT), dtype=jnp.float32) * 0.1
    return {
        "xyz": xyz,
        "features": features,
        "W1": W1,
        "gamma1": jnp.ones((D_OUT,), dtype=jnp.float32),
        "beta1": jnp.zeros((D_OUT,), dtype=jnp.float32),
        "W2": W2,
        "gamma2": jnp.ones((D_OUT,), dtype=jnp.float32),
        "beta2": jnp.zeros((D_OUT,), dtype=jnp.float32),
    }


def _bn_relu(x, gamma, beta, eps=1e-5):
    # BatchNorm2d in training mode (module default): batch statistics over (B, H, W)
    mean = jnp.mean(x, axis=(0, 2, 3), keepdims=True)
    var = jnp.var(x, axis=(0, 2, 3), keepdims=True)
    xh = (x - mean) / jnp.sqrt(var + eps)
    return jax.nn.relu(xh * gamma[None, :, None, None] + beta[None, :, None, None])


def reference(xyz, features, W1, gamma1, beta1, W2, gamma2, beta2):
    B_, N_, _ = xyz.shape
    # knn_point: pairwise squared distances + top-k smallest
    sq = jnp.sum(xyz ** 2, axis=-1)
    dist = sq[:, :, None] - 2.0 * jnp.einsum('bnc,bmc->bnm', xyz, xyz) + sq[:, None, :]
    _, knn_idx = jax.lax.top_k(-jax.lax.stop_gradient(dist), K)  # [B, N, K]
    bidx = jnp.arange(B_)[:, None, None]
    # index_points: gather neighbors
    neighbor_xyz = xyz[bidx, knn_idx]          # [B, N, K, 3]
    neighbor_features = features[bidx, knn_idx]  # [B, N, K, d_in] (gathered but unused, faithful to torch)
    xyz_tile = jnp.broadcast_to(xyz[:, :, None, :], (B_, N_, K, 3))
    relative_xyz = neighbor_xyz - xyz_tile
    d = jnp.sum(relative_xyz ** 2, axis=-1, keepdims=True)
    spatial_feat = jnp.concatenate([xyz_tile, neighbor_xyz, relative_xyz, d], axis=-1)  # [B, N, K, 10]
    x = jnp.transpose(spatial_feat, (0, 3, 1, 2))  # [B, 10, N, K]
    x = jnp.einsum('oc,bcnk->bonk', W1, x)
    x = _bn_relu(x, gamma1, beta1)
    x = jnp.einsum('oc,bcnk->bonk', W2, x)
    x = _bn_relu(x, gamma2, beta2)
    return x

if __name__ == "__main__":
    import jax
    _d = setup_inputs()
    print(jax.jit(kernel)(*tuple(_d.values())))

</pallas_src>

<mosaic_0001>
#map = affine_map<(d0, d1) -> (0)>
module attributes {stable_mosaic.version = 14 : i64} {
  func.func @sc_build(%arg0: i32, %arg1: i32, %arg2: memref<49152xf32, #tpu.memory_space<hbm>>, %arg3: memref<262144xi32, #tpu.memory_space<hbm>>, %arg4: memref<2621440xf32, #tpu.memory_space<hbm>>, %arg5: memref<4096xf32, #tpu.memory_space<vmem>>, %arg6: memref<4096xf32, #tpu.memory_space<vmem>>, %arg7: memref<4096xf32, #tpu.memory_space<vmem>>, %arg8: memref<8192xi32, #tpu.memory_space<vmem>>, %arg9: memref<81920xf32, #tpu.memory_space<vmem>>) attributes {dimension_semantics = [#tpu.dimension_semantics<core_parallel>, #tpu.dimension_semantics<subcore_parallel>], iteration_bounds = array<i64: 2, 16>, scalar_prefetch = 0 : i64, scratch_operands = 5 : i64, tpu.core_type = #tpu.core_type<sc_vector_subcore>, window_params = [{transform_indices = #map}, {transform_indices = #map}, {transform_indices = #map}]} {
    %mul3A = arith.constant 2 : i32
    %mul3A_0 = arith.muli %arg1, %mul3A : i32
    %add3A = arith.addi %mul3A_0, %arg0 : i32
    %jit3A = arith.constant 8 : i32
    %div3A = arith.divsi %add3A, %jit3A : i32
    %sign3A = arith.constant 0 : i32
    %sign3A_1 = arith.cmpi sgt, %add3A, %sign3A : i32
    %sign3A_2 = arith.extui %sign3A_1 : i1 to i32
    %sign3A_3 = arith.constant 0 : i32
    %sign3A_4 = arith.cmpi slt, %add3A, %sign3A_3 : i32
    %sign3A_5 = arith.extui %sign3A_4 : i1 to i32
    %sign3A_6 = arith.subi %sign3A_2, %sign3A_5 : i32
    %sign3A_7 = arith.constant 0 : i32
    %sign3A_8 = arith.cmpi sgt, %jit3A, %sign3A_7 : i32
    %sign3A_9 = arith.extui %sign3A_8 : i1 to i32
    %sign3A_10 = arith.constant 0 : i32
    %sign3A_11 = arith.cmpi slt, %jit3A, %sign3A_10 : i32
    %sign3A_12 = arith.extui %sign3A_11 : i1 to i32
    %sign3A_13 = arith.subi %sign3A_9, %sign3A_12 : i32
    %ne3A = arith.cmpi ne, %sign3A_6, %sign3A_13 : i32
    %rem3A = arith.remsi %add3A, %jit3A : i32
    %ne3A_14 = arith.constant 0 : i32
    %ne3A_15 = arith.cmpi ne, %rem3A, %ne3A_14 : i32
    %and3A = arith.andi %ne3A, %ne3A_15 : i1
    %sub3A = arith.constant 1 : i32
    %sub3A_16 = arith.subi %div3A, %sub3A : i32
    %select_n3A = arith.select %and3A, %sub3A_16, %div3A : i32
    %jit3A_17 = arith.constant 8 : i32
    %eq3A = arith.constant 0 : i32
    %eq3A_18 = arith.cmpi eq, %jit3A_17, %eq3A : i32
    %jit3A_19 = arith.constant 1 : i32
    %select_n3A_20 = arith.select %eq3A_18, %jit3A_19, %jit3A_17 : i32
    %rem3A_21 = arith.remsi %add3A, %select_n3A_20 : i32
    %ne3A_22 = arith.constant 0 : i32
    %ne3A_23 = arith.cmpi ne, %rem3A_21, %ne3A_22 : i32
    %lt3A = arith.constant 0 : i32
    %lt3A_24 = arith.cmpi slt, %rem3A_21, %lt3A : i32
    %lt3A_25 = arith.constant 0 : i32
    %lt3A_26 = arith.cmpi slt, %select_n3A_20, %lt3A_25 : i32
    %ne3A_27 = arith.xori %lt3A_24, %lt3A_26 : i1
    %and3A_28 = arith.andi %ne3A_27, %ne3A_23 : i1
    %add3A_29 = arith.addi %rem3A_21, %select_n3A_20 : i32
    %select_n3A_30 = arith.select %and3A_28, %add3A_29, %rem3A_21 : i32
    %mul3A_31 = arith.constant 512 : i32
    %mul3A_32 = arith.muli %select_n3A_30, %mul3A_31 : i32
    %mul3A_33 = arith.constant 3 : i32
    %mul3A_34 = arith.muli %select_n3A, %mul3A_33 : i32
    %add3A_35 = arith.constant 0 : i32
    %add3A_36 = arith.addi %mul3A_34, %add3A_35 : i32
    %mul3A_37 = arith.constant 4096 : i32
    %mul3A_38 = arith.muli %add3A_36, %mul3A_37 : i32
    "tpu.region"() ({
      %run_scoped3A = tpu.sem_alloc : memref<!tpu.dma_semaphore, #tpu.memory_space<semaphore_mem>>
      %dma_start3A = tpu.memref_slice %arg2[%mul3A_38] : memref<49152xf32, #tpu.memory_space<hbm>> -> memref<4096xf32, #tpu.memory_space<hbm>>
      %dma_start3A_151 = tpu.memref_slice %arg2[%mul3A_38] : memref<49152xf32, #tpu.memory_space<hbm>> -> memref<4096xf32, #tpu.memory_space<hbm>>
      tpu.enqueue_dma source(%dma_start3A_151 : memref<4096xf32, #tpu.memory_space<hbm>>) target(%arg5 : memref<4096xf32, #tpu.memory_space<vmem>>) target_semaphore(%run_scoped3A : memref<!tpu.dma_semaphore, #tpu.memory_space<semaphore_mem>>)
      %dma_wait3A = tpu.memref_slice %arg2[%mul3A_38] : memref<49152xf32, #tpu.memory_space<hbm>> -> memref<4096xf32, #tpu.memory_space<hbm>>
      %dma_wait3A_152 = tpu.memref_slice %arg2[%mul3A_38] : memref<49152xf32, #tpu.memory_space<hbm>> -> memref<4096xf32, #tpu.memory_space<hbm>>
      tpu.wait_dma2 semaphore(%run_scoped3A : memref<!tpu.dma_semaphore, #tpu.memory_space<semaphore_mem>>) src(%dma_wait3A_152 : memref<4096xf32, #tpu.memory_space<hbm>>) dst(%arg5 : memref<4096xf32, #tpu.memory_space<vmem>>)
      tpu.yield
    }) : () -> ()
    %mul3A_39 = arith.constant 3 : i32
    %mul3A_40 = arith.muli %select_n3A, %mul3A_39 : i32
    %add3A_41 = arith.constant 1 : i32
    %add3A_42 = arith.addi %mul3A_40, %add3A_41 : i32
    %mul3A_43 = arith.constant 4096 : i32
    %mul3A_44 = arith.muli %add3A_42, %mul3A_43 : i32
    "tpu.region"() ({
      %run_scoped3A = tpu.sem_alloc : memref<!tpu.dma_semaphore, #tpu.memory_space<semaphore_mem>>
      %dma_start3A = tpu.memref_slice %arg2[%mul3A_44] : memref<49152xf32, #tpu.memory_space<hbm>> -> memref<4096xf32, #tpu.memory_space<hbm>>
      %dma_start3A_151 = tpu.memref_slice %arg2[%mul3A_44] : memref<49152xf32, #tpu.memory_space<hbm>> -> memref<4096xf32, #tpu.memory_space<hbm>>
      tpu.enqueue_dma source(%dma_start3A_151 : memref<4096xf32, #tpu.memory_space<hbm>>) target(%arg6 : memref<4096xf32, #tpu.memory_space<vmem>>) target_semaphore(%run_scoped3A : memref<!tpu.dma_semaphore, #tpu.memory_space<semaphore_mem>>)
      %dma_wait3A = tpu.memref_slice %arg2[%mul3A_44] : memref<49152xf32, #tpu.memory_space<hbm>> -> memref<4096xf32, #tpu.memory_space<hbm>>
      %dma_wait3A_152 = tpu.memref_slice %arg2[%mul3A_44] : memref<49152xf32, #tpu.memory_space<hbm>> -> memref<4096xf32, #tpu.memory_space<hbm>>
      tpu.wait_dma2 semaphore(%run_scoped3A : memref<!tpu.dma_semaphore, #tpu.memory_space<semaphore_mem>>) src(%dma_wait3A_152 : memref<4096xf32, #tpu.memory_space<hbm>>) dst(%arg6 : memref<4096xf32, #tpu.memory_space<vmem>>)
      tpu.yield
    }) : () -> ()
    %mul3A_45 = arith.constant 3 : i32
    %mul3A_46 = arith.muli %select_n3A, %mul3A_45 : i32
    %add3A_47 = arith.constant 2 : i32
    %add3A_48 = arith.addi %mul3A_46, %add3A_47 : i32
    %mul3A_49 = arith.constant 4096 : i32
    %mul3A_50 = arith.muli %add3A_48, %mul3A_49 : i32
    "tpu.region"() ({
      %run_scoped3A = tpu.sem_alloc : memref<!tpu.dma_semaphore, #tpu.memory_space<semaphore_mem>>
      %dma_start3A = tpu.memref_slice %arg2[%mul3A_50] : memref<49152xf32, #tpu.memory_space<hbm>> -> memref<4096xf32, #tpu.memory_space<hbm>>
      %dma_start3A_151 = tpu.memref_slice %arg2[%mul3A_50] : memref<49152xf32, #tpu.memory_space<hbm>> -> memref<4096xf32, #tpu.memory_space<hbm>>
      tpu.enqueue_dma source(%dma_start3A_151 : memref<4096xf32, #tpu.memory_space<hbm>>) target(%arg7 : memref<4096xf32, #tpu.memory_space<vmem>>) target_semaphore(%run_scoped3A : memref<!tpu.dma_semaphore, #tpu.memory_space<semaphore_mem>>)
      %dma_wait3A = tpu.memref_slice %arg2[%mul3A_50] : memref<49152xf32, #tpu.memory_space<hbm>> -> memref<4096xf32, #tpu.memory_space<hbm>>
      %dma_wait3A_152 = tpu.memref_slice %arg2[%mul3A_50] : memref<49152xf32, #tpu.memory_space<hbm>> -> memref<4096xf32, #tpu.memory_space<hbm>>
      tpu.wait_dma2 semaphore(%run_scoped3A : memref<!tpu.dma_semaphore, #tpu.memory_space<semaphore_mem>>) src(%dma_wait3A_152 : memref<4096xf32, #tpu.memory_space<hbm>>) dst(%arg7 : memref<4096xf32, #tpu.memory_space<vmem>>)
      tpu.yield
    }) : () -> ()
    %mul3A_51 = arith.constant 65536 : i32
    %mul3A_52 = arith.muli %select_n3A, %mul3A_51 : i32
    %mul3A_53 = arith.constant 16 : i32
    %mul3A_54 = arith.muli %mul3A_32, %mul3A_53 : i32
    %add3A_55 = arith.addi %mul3A_52, %mul3A_54 : i32
    "tpu.region"() ({
      %run_scoped3A = tpu.sem_alloc : memref<!tpu.dma_semaphore, #tpu.memory_space<semaphore_mem>>
      %dma_start3A = tpu.memref_slice %arg3[%add3A_55] : memref<262144xi32, #tpu.memory_space<hbm>> -> memref<8192xi32, #tpu.memory_space<hbm>>
      %dma_start3A_151 = tpu.memref_slice %arg3[%add3A_55] : memref<262144xi32, #tpu.memory_space<hbm>> -> memref<8192xi32, #tpu.memory_space<hbm>>
      tpu.enqueue_dma source(%dma_start3A_151 : memref<8192xi32, #tpu.memory_space<hbm>>) target(%arg8 : memref<8192xi32, #tpu.memory_space<vmem>>) target_semaphore(%run_scoped3A : memref<!tpu.dma_semaphore, #tpu.memory_space<semaphore_mem>>)
      %dma_wait3A = tpu.memref_slice %arg3[%add3A_55] : memref<262144xi32, #tpu.memory_space<hbm>> -> memref<8192xi32, #tpu.memory_space<hbm>>
      %dma_wait3A_152 = tpu.memref_slice %arg3[%add3A_55] : memref<262144xi32, #tpu.memory_space<hbm>> -> memref<8192xi32, #tpu.memory_space<hbm>>
      tpu.wait_dma2 semaphore(%run_scoped3A : memref<!tpu.dma_semaphore, #tpu.memory_space<semaphore_mem>>) src(%dma_wait3A_152 : memref<8192xi32, #tpu.memory_space<hbm>>) dst(%arg8 : memref<8192xi32, #tpu.memory_space<vmem>>)
      tpu.yield
    }) : () -> ()
    %scan3A = arith.constant 0 : i32
    %scan3A_56 = arith.constant 0 : i32
    %scan3A_57 = arith.constant 512 : i32
    %scan3A_58 = arith.addi %scan3A_56, %scan3A_57 : i32
    %scan3A_59 = arith.constant 1 : i32
    scf.for %scan3A_151 = %scan3A_56 to %scan3A_58 step %scan3A_59  : i32 {
      %add3A_152 = arith.addi %mul3A_32, %scan3A_151 : i32
      %broadcast_in_dim3A = vector.broadcast %add3A_152 : i32 to vector<16xi32>
      %gather3A = tpu.vector_load_idx %arg5[%broadcast_in_dim3A] : memref<4096xf32, #tpu.memory_space<vmem>>[vector<16xi32>], vector<16xf32>,
      %gather3A_153 = tpu.vector_load_idx %arg6[%broadcast_in_dim3A] : memref<4096xf32, #tpu.memory_space<vmem>>[vector<16xi32>], vector<16xf32>,
      %gather3A_154 = tpu.vector_load_idx %arg7[%broadcast_in_dim3A] : memref<4096xf32, #tpu.memory_space<vmem>>[vector<16xi32>], vector<16xf32>,
      %mul3A_155 = arith.constant 16 : i32
      %mul3A_156 = arith.muli %scan3A_151, %mul3A_155 : i32
      %get3A = arith.index_cast %mul3A_156 : i32 to index
      %get3A_157 = tpu.vector_load %arg8[%get3A] {strides = array<i32>} : memref<8192xi32, #tpu.memory_space<vmem>>, vector<16xi32>,
      %gather3A_158 = tpu.vector_load_idx %arg5[%get3A_157] : memref<4096xf32, #tpu.memory_space<vmem>>[vector<16xi32>], vector<16xf32>,
      %gather3A_159 = tpu.vector_load_idx %arg6[%get3A_157] : memref<4096xf32, #tpu.memory_space<vmem>>[vector<16xi32>], vector<16xf32>,
      %gather3A_160 = tpu.vector_load_idx %arg7[%get3A_157] : memref<4096xf32, #tpu.memory_space<vmem>>[vector<16xi32>], vector<16xf32>,
      %sub3A_161 = arith.subf %gather3A_158, %gather3A : vector<16xf32>
      %sub3A_162 = arith.subf %gather3A_159, %gather3A_153 : vector<16xf32>
      %sub3A_163 = arith.subf %gather3A_160, %gather3A_154 : vector<16xf32>
      %mul3A_164 = arith.mulf %sub3A_161, %sub3A_161 : vector<16xf32>
      %mul3A_165 = arith.mulf %sub3A_162, %sub3A_162 : vector<16xf32>
      %add3A_166 = arith.addf %mul3A_164, %mul3A_165 : vector<16xf32>
      %mul3A_167 = arith.mulf %sub3A_163, %sub3A_163 : vector<16xf32>
      %add3A_168 = arith.addf %add3A_166, %mul3A_167 : vector<16xf32>
      %mul3A_169 = arith.constant 16 : i32
      %mul3A_170 = arith.muli %scan3A_151, %mul3A_169 : i32
      %add3A_171 = arith.constant 0 : i32
      %add3A_172 = arith.addi %add3A_171, %mul3A_170 : i32
      %swap3A = arith.index_cast %add3A_172 : i32 to index
      %swap3A_173 = tpu.vector_load %arg9[%swap3A] {strides = array<i32>} : memref<81920xf32, #tpu.memory_space<vmem>>, vector<16xf32>,
      tpu.vector_store %arg9[%swap3A], %gather3A {strides = array<i32>} : memref<81920xf32, #tpu.memory_space<vmem>>, vector<16xf32>,
      %add3A_174 = arith.constant 8192 : i32
      %add3A_175 = arith.addi %add3A_174, %mul3A_170 : i32
      %swap3A_176 = arith.index_cast %add3A_175 : i32 to index
      %swap3A_177 = tpu.vector_load %arg9[%swap3A_176] {strides = array<i32>} : memref<81920xf32, #tpu.memory_space<vmem>>, vector<16xf32>,
      tpu.vector_store %arg9[%swap3A_176], %gather3A_153 {strides = array<i32>} : memref<81920xf32, #tpu.memory_space<vmem>>, vector<16xf32>,
      %add3A_178 = arith.constant 16384 : i32
      %add3A_179 = arith.addi %add3A_178, %mul3A_170 : i32
      %swap3A_180 = arith.index_cast %add3A_179 : i32 to index
      %swap3A_181 = tpu.vector_load %arg9[%swap3A_180] {strides = array<i32>} : memref<81920xf32, #tpu.memory_space<vmem>>, vector<16xf32>,
      tpu.vector_store %arg9[%swap3A_180], %gather3A_154 {strides = array<i32>} : memref<81920xf32, #tpu.memory_space<vmem>>, vector<16xf32>,
      %add3A_182 = arith.constant 24576 : i32
      %add3A_183 = arith.addi %add3A_182, %mul3A_170 : i32
      %swap3A_184 = arith.index_cast %add3A_183 : i32 to index
      %swap3A_185 = tpu.vector_load %arg9[%swap3A_184] {strides = array<i32>} : memref<81920xf32, #tpu.memory_space<vmem>>, vector<16xf32>,
      tpu.vector_store %arg9[%swap3A_184], %gather3A_158 {strides = array<i32>} : memref<81920xf32, #tpu.memory_space<vmem>>, vector<16xf32>,
      %add3A_186 = arith.constant 32768 : i32
      %add3A_187 = arith.addi %add3A_186, %mul3A_170 : i32
      %swap3A_188 = arith.index_cast %add3A_187 : i32 to index
      %swap3A_189 = tpu.vector_load %arg9[%swap3A_188] {strides = array<i32>} : memref<81920xf32, #tpu.memory_space<vmem>>, vector<16xf32>,
      tpu.vector_store %arg9[%swap3A_188], %gather3A_159 {strides = array<i32>} : memref<81920xf32, #tpu.memory_space<vmem>>, vector<16xf32>,
      %add3A_190 = arith.constant 40960 : i32
      %add3A_191 = arith.addi %add3A_190, %mul3A_170 : i32
      %swap3A_192 = arith.index_cast %add3A_191 : i32 to index
      %swap3A_193 = tpu.vector_load %arg9[%swap3A_192] {strides = array<i32>} : memref<81920xf32, #tpu.memory_space<vmem>>, vector<16xf32>,
      tpu.vector_store %arg9[%swap3A_192], %gather3A_160 {strides = array<i32>} : memref<81920xf32, #tpu.memory_space<vmem>>, vector<16xf32>,
      %add3A_194 = arith.constant 49152 : i32
      %add3A_195 = arith.addi %add3A_194, %mul3A_170 : i32
      %swap3A_196 = arith.index_cast %add3A_195 : i32 to index
      %swap3A_197 = tpu.vector_load %arg9[%swap3A_196] {strides = array<i32>} : memref<81920xf32, #tpu.memory_space<vmem>>, vector<16xf32>,
      tpu.vector_store %arg9[%swap3A_196], %sub3A_161 {strides = array<i32>} : memref<81920xf32, #tpu.memory_space<vmem>>, vector<16xf32>,
      %add3A_198 = arith.constant 57344 : i32
      %add3A_199 = arith.addi %add3A_198, %mul3A_170 : i32
      %swap3A_200 = arith.index_cast %add3A_199 : i32 to index
      %swap3A_201 = tpu.vector_load %arg9[%swap3A_200] {strides = array<i32>} : memref<81920xf32, #tpu.memory_space<vmem>>, vector<16xf32>,
      tpu.vector_store %arg9[%swap3A_200], %sub3A_162 {strides = array<i32>} : memref<81920xf32, #tpu.memory_space<vmem>>, vector<16xf32>,
      %add3A_202 = arith.constant 65536 : i32
      %add3A_203 = arith.addi %add3A_202, %mul3A_170 : i32
      %swap3A_204 = arith.index_cast %add3A_203 : i32 to index
      %swap3A_205 = tpu.vector_load %arg9[%swap3A_204] {strides = array<i32>} : memref<81920xf32, #tpu.memory_space<vmem>>, vector<16xf32>,
      tpu.vector_store %arg9[%swap3A_204], %sub3A_163 {strides = array<i32>} : memref<81920xf32, #tpu.memory_space<vmem>>, vector<16xf32>,
      %add3A_206 = arith.constant 73728 : i32
      %add3A_207 = arith.addi %add3A_206, %mul3A_170 : i32
      %swap3A_208 = arith.index_cast %add3A_207 : i32 to index
      %swap3A_209 = tpu.vector_load %arg9[%swap3A_208] {strides = array<i32>} : memref<81920xf32, #tpu.memory_space<vmem>>, vector<16xf32>,
      tpu.vector_store %arg9[%swap3A_208], %add3A_168 {strides = array<i32>} : memref<81920xf32, #tpu.memory_space<vmem>>, vector<16xf32>,
    }
    %scan3A_60 = arith.constant 512 : i32
    %mul3A_61 = arith.constant 10 : i32
    %mul3A_62 = arith.muli %select_n3A, %mul3A_61 : i32
    %add3A_63 = arith.constant 0 : i32
    %add3A_64 = arith.addi %mul3A_62, %add3A_63 : i32
    %mul3A_65 = arith.constant 65536 : i32
    %mul3A_66 = arith.muli %add3A_64, %mul3A_65 : i32
    %mul3A_67 = arith.constant 16 : i32
    %mul3A_68 = arith.muli %mul3A_32, %mul3A_67 : i32
    %add3A_69 = arith.addi %mul3A_66, %mul3A_68 : i32
    "tpu.region"() ({
      %run_scoped3A = tpu.sem_alloc : memref<!tpu.dma_semaphore, #tpu.memory_space<semaphore_mem>>
      %dma_start3A = arith.constant 0 : i32
      %dma_start3A_151 = tpu.memref_slice %arg9[%dma_start3A] : memref<81920xf32, #tpu.memory_space<vmem>> -> memref<8192xf32, #tpu.memory_space<vmem>>
      %dma_start3A_152 = tpu.memref_slice %arg4[%add3A_69] : memref<2621440xf32, #tpu.memory_space<hbm>> -> memref<8192xf32, #tpu.memory_space<hbm>>
      %dma_start3A_153 = tpu.memref_slice %arg4[%add3A_69] : memref<2621440xf32, #tpu.memory_space<hbm>> -> memref<8192xf32, #tpu.memory_space<hbm>>
      %dma_start3A_154 = arith.constant 0 : i32
      %dma_start3A_155 = tpu.memref_slice %arg9[%dma_start3A_154] : memref<81920xf32, #tpu.memory_space<vmem>> -> memref<8192xf32, #tpu.memory_space<vmem>>
      tpu.enqueue_dma source(%dma_start3A_155 : memref<8192xf32, #tpu.memory_space<vmem>>) target(%dma_start3A_153 : memref<8192xf32, #tpu.memory_space<hbm>>) target_semaphore(%run_scoped3A : memref<!tpu.dma_semaphore, #tpu.memory_space<semaphore_mem>>)
      %dma_wait3A = arith.constant 0 : i32
      %dma_wait3A_156 = tpu.memref_slice %arg9[%dma_wait3A] : memref<81920xf32, #tpu.memory_space<vmem>> -> memref<8192xf32, #tpu.memory_space<vmem>>
      %dma_wait3A_157 = tpu.memref_slice %arg4[%add3A_69] : memref<2621440xf32, #tpu.memory_space<hbm>> -> memref<8192xf32, #tpu.memory_space<hbm>>
      %dma_wait3A_158 = tpu.memref_slice %arg4[%add3A_69] : memref<2621440xf32, #tpu.memory_space<hbm>> -> memref<8192xf32, #tpu.memory_space<hbm>>
      %dma_wait3A_159 = arith.constant 0 : i32
      %dma_wait3A_160 = tpu.memref_slice %arg9[%dma_wait3A_159] : memref<81920xf32, #tpu.memory_space<vmem>> -> memref<8192xf32, #tpu.memory_space<vmem>>
      tpu.wait_dma2 semaphore(%run_scoped3A : memref<!tpu.dma_semaphore, #tpu.memory_space<semaphore_mem>>) src(%dma_wait3A_160 : memref<8192xf32, #tpu.memory_space<vmem>>) dst(%dma_wait3A_158 : memref<8192xf32, #tpu.memory_space<hbm>>)
      tpu.yield
    }) : () -> ()
    %mul3A_70 = arith.constant 10 : i32
    %mul3A_71 = arith.muli %select_n3A, %mul3A_70 : i32
    %add3A_72 = arith.constant 1 : i32
    %add3A_73 = arith.addi %mul3A_71, %add3A_72 : i32
    %mul3A_74 = arith.constant 65536 : i32
    %mul3A_75 = arith.muli %add3A_73, %mul3A_74 : i32
    %mul3A_76 = arith.constant 16 : i32
    %mul3A_77 = arith.muli %mul3A_32, %mul3A_76 : i32
    %add3A_78 = arith.addi %mul3A_75, %mul3A_77 : i32
    "tpu.region"() ({
      %run_scoped3A = tpu.sem_alloc : memref<!tpu.dma_semaphore, #tpu.memory_space<semaphore_mem>>
      %dma_start3A = arith.constant 8192 : i32
      %dma_start3A_151 = tpu.memref_slice %arg9[%dma_start3A] : memref<81920xf32, #tpu.memory_space<vmem>> -> memref<8192xf32, #tpu.memory_space<vmem>>
      %dma_start3A_152 = tpu.memref_slice %arg4[%add3A_78] : memref<2621440xf32, #tpu.memory_space<hbm>> -> memref<8192xf32, #tpu.memory_space<hbm>>
      %dma_start3A_153 = tpu.memref_slice %arg4[%add3A_78] : memref<2621440xf32, #tpu.memory_space<hbm>> -> memref<8192xf32, #tpu.memory_space<hbm>>
      %dma_start3A_154 = arith.constant 8192 : i32
      %dma_start3A_155 = tpu.memref_slice %arg9[%dma_start3A_154] : memref<81920xf32, #tpu.memory_space<vmem>> -> memref<8192xf32, #tpu.memory_space<vmem>>
      tpu.enqueue_dma source(%dma_start3A_155 : memref<8192xf32, #tpu.memory_space<vmem>>) target(%dma_start3A_153 : memref<8192xf32, #tpu.memory_space<hbm>>) target_semaphore(%run_scoped3A : memref<!tpu.dma_semaphore, #tpu.memory_space<semaphore_mem>>)
      %dma_wait3A = arith.constant 8192 : i32
      %dma_wait3A_156 = tpu.memref_slice %arg9[%dma_wait3A] : memref<81920xf32, #tpu.memory_space<vmem>> -> memref<8192xf32, #tpu.memory_space<vmem>>
      %dma_wait3A_157 = tpu.memref_slice %arg4[%add3A_78] : memref<2621440xf32, #tpu.memory_space<hbm>> -> memref<8192xf32, #tpu.memory_space<hbm>>
      %dma_wait3A_158 = tpu.memref_slice %arg4[%add3A_78] : memref<2621440xf32, #tpu.memory_space<hbm>> -> memref<8192xf32, #tpu.memory_space<hbm>>
      %dma_wait3A_159 = arith.constant 8192 : i32
      %dma_wait3A_160 = tpu.memref_slice %arg9[%dma_wait3A_159] : memref<81920xf32, #tpu.memory_space<vmem>> -> memref<8192xf32, #tpu.memory_space<vmem>>
      tpu.wait_dma2 semaphore(%run_scoped3A : memref<!tpu.dma_semaphore, #tpu.memory_space<semaphore_mem>>) src(%dma_wait3A_160 : memref<8192xf32, #tpu.memory_space<vmem>>) dst(%dma_wait3A_158 : memref<8192xf32, #tpu.memory_space<hbm>>)
      tpu.yield
    }) : () -> ()
    %mul3A_79 = arith.constant 10 : i32
    %mul3A_80 = arith.muli %select_n3A, %mul3A_79 : i32
    %add3A_81 = arith.constant 2 : i32
    %add3A_82 = arith.addi %mul3A_80, %add3A_81 : i32
    %mul3A_83 = arith.constant 65536 : i32
    %mul3A_84 = arith.muli %add3A_82, %mul3A_83 : i32
    %mul3A_85 = arith.constant 16 : i32
    %mul3A_86 = arith.muli %mul3A_32, %mul3A_85 : i32
    %add3A_87 = arith.addi %mul3A_84, %mul3A_86 : i32
    "tpu.region"() ({
      %run_scoped3A = tpu.sem_alloc : memref<!tpu.dma_semaphore, #tpu.memory_space<semaphore_mem>>
      %dma_start3A = arith.constant 16384 : i32
      %dma_start3A_151 = tpu.memref_slice %arg9[%dma_start3A] : memref<81920xf32, #tpu.memory_space<vmem>> -> memref<8192xf32, #tpu.memory_space<vmem>>
      %dma_start3A_152 = tpu.memref_slice %arg4[%add3A_87] : memref<2621440xf32, #tpu.memory_space<hbm>> -> memref<8192xf32, #tpu.memory_space<hbm>>
      %dma_start3A_153 = tpu.memref_slice %arg4[%add3A_87] : memref<2621440xf32, #tpu.memory_space<hbm>> -> memref<8192xf32, #tpu.memory_space<hbm>>
      %dma_start3A_154 = arith.constant 16384 : i32
      %dma_start3A_155 = tpu.memref_slice %arg9[%dma_start3A_154] : memref<81920xf32, #tpu.memory_space<vmem>> -> memref<8192xf32, #tpu.memory_space<vmem>>
      tpu.enqueue_dma source(%dma_start3A_155 : memref<8192xf32, #tpu.memory_space<vmem>>) target(%dma_start3A_153 : memref<8192xf32, #tpu.memory_space<hbm>>) target_semaphore(%run_scoped3A : memref<!tpu.dma_semaphore, #tpu.memory_space<semaphore_mem>>)
      %dma_wait3A = arith.constant 16384 : i32
      %dma_wait3A_156 = tpu.memref_slice %arg9[%dma_wait3A] : memref<81920xf32, #tpu.memory_space<vmem>> -> memref<8192xf32, #tpu.memory_space<vmem>>
      %dma_wait3A_157 = tpu.memref_slice %arg4[%add3A_87] : memref<2621440xf32, #tpu.memory_space<hbm>> -> memref<8192xf32, #tpu.memory_space<hbm>>
      %dma_wait3A_158 = tpu.memref_slice %arg4[%add3A_87] : memref<2621440xf32, #tpu.memory_space<hbm>> -> memref<8192xf32, #tpu.memory_space<hbm>>
      %dma_wait3A_159 = arith.constant 16384 : i32
      %dma_wait3A_160 = tpu.memref_slice %arg9[%dma_wait3A_159] : memref<81920xf32, #tpu.memory_space<vmem>> -> memref<8192xf32, #tpu.memory_space<vmem>>
      tpu.wait_dma2 semaphore(%run_scoped3A : memref<!tpu.dma_semaphore, #tpu.memory_space<semaphore_mem>>) src(%dma_wait3A_160 : memref<8192xf32, #tpu.memory_space<vmem>>) dst(%dma_wait3A_158 : memref<8192xf32, #tpu.memory_space<hbm>>)
      tpu.yield
    }) : () -> ()
    %mul3A_88 = arith.constant 10 : i32
    %mul3A_89 = arith.muli %select_n3A, %mul3A_88 : i32
    %add3A_90 = arith.constant 3 : i32
    %add3A_91 = arith.addi %mul3A_89, %add3A_90 : i32
    %mul3A_92 = arith.constant 65536 : i32
    %mul3A_93 = arith.muli %add3A_91, %mul3A_92 : i32
    %mul3A_94 = arith.constant 16 : i32
    %mul3A_95 = arith.muli %mul3A_32, %mul3A_94 : i32
    %add3A_96 = arith.addi %mul3A_93, %mul3A_95 : i32
    "tpu.region"() ({
      %run_scoped3A = tpu.sem_alloc : memref<!tpu.dma_semaphore, #tpu.memory_space<semaphore_mem>>
      %dma_start3A = arith.constant 24576 : i32
      %dma_start3A_151 = tpu.memref_slice %arg9[%dma_start3A] : memref<81920xf32, #tpu.memory_space<vmem>> -> memref<8192xf32, #tpu.memory_space<vmem>>
      %dma_start3A_152 = tpu.memref_slice %arg4[%add3A_96] : memref<2621440xf32, #tpu.memory_space<hbm>> -> memref<8192xf32, #tpu.memory_space<hbm>>
      %dma_start3A_153 = tpu.memref_slice %arg4[%add3A_96] : memref<2621440xf32, #tpu.memory_space<hbm>> -> memref<8192xf32, #tpu.memory_space<hbm>>
      %dma_start3A_154 = arith.constant 24576 : i32
      %dma_start3A_155 = tpu.memref_slice %arg9[%dma_start3A_154] : memref<81920xf32, #tpu.memory_space<vmem>> -> memref<8192xf32, #tpu.memory_space<vmem>>
      tpu.enqueue_dma source(%dma_start3A_155 : memref<8192xf32, #tpu.memory_space<vmem>>) target(%dma_start3A_153 : memref<8192xf32, #tpu.memory_space<hbm>>) target_semaphore(%run_scoped3A : memref<!tpu.dma_semaphore, #tpu.memory_space<semaphore_mem>>)
      %dma_wait3A = arith.constant 24576 : i32
      %dma_wait3A_156 = tpu.memref_slice %arg9[%dma_wait3A] : memref<81920xf32, #tpu.memory_space<vmem>> -> memref<8192xf32, #tpu.memory_space<vmem>>
      %dma_wait3A_157 = tpu.memref_slice %arg4[%add3A_96] : memref<2621440xf32, #tpu.memory_space<hbm>> -> memref<8192xf32, #tpu.memory_space<hbm>>
      %dma_wait3A_158 = tpu.memref_slice %arg4[%add3A_96] : memref<2621440xf32, #tpu.memory_space<hbm>> -> memref<8192xf32, #tpu.memory_space<hbm>>
      %dma_wait3A_159 = arith.constant 24576 : i32
      %dma_wait3A_160 = tpu.memref_slice %arg9[%dma_wait3A_159] : memref<81920xf32, #tpu.memory_space<vmem>> -> memref<8192xf32, #tpu.memory_space<vmem>>
      tpu.wait_dma2 semaphore(%run_scoped3A : memref<!tpu.dma_semaphore, #tpu.memory_space<semaphore_mem>>) src(%dma_wait3A_160 : memref<8192xf32, #tpu.memory_space<vmem>>) dst(%dma_wait3A_158 : memref<8192xf32, #tpu.memory_space<hbm>>)
      tpu.yield
    }) : () -> ()
    %mul3A_97 = arith.constant 10 : i32
    %mul3A_98 = arith.muli %select_n3A, %mul3A_97 : i32
    %add3A_99 = arith.constant 4 : i32
    %add3A_100 = arith.addi %mul3A_98, %add3A_99 : i32
    %mul3A_101 = arith.constant 65536 : i32
    %mul3A_102 = arith.muli %add3A_100, %mul3A_101 : i32
    %mul3A_103 = arith.constant 16 : i32
    %mul3A_104 = arith.muli %mul3A_32, %mul3A_103 : i32
    %add3A_105 = arith.addi %mul3A_102, %mul3A_104 : i32
    "tpu.region"() ({
      %run_scoped3A = tpu.sem_alloc : memref<!tpu.dma_semaphore, #tpu.memory_space<semaphore_mem>>
      %dma_start3A = arith.constant 32768 : i32
      %dma_start3A_151 = tpu.memref_slice %arg9[%dma_start3A] : memref<81920xf32, #tpu.memory_space<vmem>> -> memref<8192xf32, #tpu.memory_space<vmem>>
      %dma_start3A_152 = tpu.memref_slice %arg4[%add3A_105] : memref<2621440xf32, #tpu.memory_space<hbm>> -> memref<8192xf32, #tpu.memory_space<hbm>>
      %dma_start3A_153 = tpu.memref_slice %arg4[%add3A_105] : memref<2621440xf32, #tpu.memory_space<hbm>> -> memref<8192xf32, #tpu.memory_space<hbm>>
      %dma_start3A_154 = arith.constant 32768 : i32
      %dma_start3A_155 = tpu.memref_slice %arg9[%dma_start3A_154] : memref<81920xf32, #tpu.memory_space<vmem>> -> memref<8192xf32, #tpu.memory_space<vmem>>
      tpu.enqueue_dma source(%dma_start3A_155 : memref<8192xf32, #tpu.memory_space<vmem>>) target(%dma_start3A_153 : memref<8192xf32, #tpu.memory_space<hbm>>) target_semaphore(%run_scoped3A : memref<!tpu.dma_semaphore, #tpu.memory_space<semaphore_mem>>)
      %dma_wait3A = arith.constant 32768 : i32
      %dma_wait3A_156 = tpu.memref_slice %arg9[%dma_wait3A] : memref<81920xf32, #tpu.memory_space<vmem>> -> memref<8192xf32, #tpu.memory_space<vmem>>
      %dma_wait3A_157 = tpu.memref_slice %arg4[%add3A_105] : memref<2621440xf32, #tpu.memory_space<hbm>> -> memref<8192xf32, #tpu.memory_space<hbm>>
      %dma_wait3A_158 = tpu.memref_slice %arg4[%add3A_105] : memref<2621440xf32, #tpu.memory_space<hbm>> -> memref<8192xf32, #tpu.memory_space<hbm>>
      %dma_wait3A_159 = arith.constant 32768 : i32
      %dma_wait3A_160 = tpu.memref_slice %arg9[%dma_wait3A_159] : memref<81920xf32, #tpu.memory_space<vmem>> -> memref<8192xf32, #tpu.memory_space<vmem>>
      tpu.wait_dma2 semaphore(%run_scoped3A : memref<!tpu.dma_semaphore, #tpu.memory_space<semaphore_mem>>) src(%dma_wait3A_160 : memref<8192xf32, #tpu.memory_space<vmem>>) dst(%dma_wait3A_158 : memref<8192xf32, #tpu.memory_space<hbm>>)
      tpu.yield
    }) : () -> ()
    %mul3A_106 = arith.constant 10 : i32
    %mul3A_107 = arith.muli %select_n3A, %mul3A_106 : i32
    %add3A_108 = arith.constant 5 : i32
    %add3A_109 = arith.addi %mul3A_107, %add3A_108 : i32
    %mul3A_110 = arith.constant 65536 : i32
    %mul3A_111 = arith.muli %add3A_109, %mul3A_110 : i32
    %mul3A_112 = arith.constant 16 : i32
    %mul3A_113 = arith.muli %mul3A_32, %mul3A_112 : i32
    %add3A_114 = arith.addi %mul3A_111, %mul3A_113 : i32
    "tpu.region"() ({
      %run_scoped3A = tpu.sem_alloc : memref<!tpu.dma_semaphore, #tpu.memory_space<semaphore_mem>>
      %dma_start3A = arith.constant 40960 : i32
      %dma_start3A_151 = tpu.memref_slice %arg9[%dma_start3A] : memref<81920xf32, #tpu.memory_space<vmem>> -> memref<8192xf32, #tpu.memory_space<vmem>>
      %dma_start3A_152 = tpu.memref_slice %arg4[%add3A_114] : memref<2621440xf32, #tpu.memory_space<hbm>> -> memref<8192xf32, #tpu.memory_space<hbm>>
      %dma_start3A_153 = tpu.memref_slice %arg4[%add3A_114] : memref<2621440xf32, #tpu.memory_space<hbm>> -> memref<8192xf32, #tpu.memory_space<hbm>>
      %dma_start3A_154 = arith.constant 40960 : i32
      %dma_start3A_155 = tpu.memref_slice %arg9[%dma_start3A_154] : memref<81920xf32, #tpu.memory_space<vmem>> -> memref<8192xf32, #tpu.memory_space<vmem>>
      tpu.enqueue_dma source(%dma_start3A_155 : memref<8192xf32, #tpu.memory_space<vmem>>) target(%dma_start3A_153 : memref<8192xf32, #tpu.memory_space<hbm>>) target_semaphore(%run_scoped3A : memref<!tpu.dma_semaphore, #tpu.memory_space<semaphore_mem>>)
      %dma_wait3A = arith.constant 40960 : i32
      %dma_wait3A_156 = tpu.memref_slice %arg9[%dma_wait3A] : memref<81920xf32, #tpu.memory_space<vmem>> -> memref<8192xf32, #tpu.memory_space<vmem>>
      %dma_wait3A_157 = tpu.memref_slice %arg4[%add3A_114] : memref<2621440xf32, #tpu.memory_space<hbm>> -> memref<8192xf32, #tpu.memory_space<hbm>>
      %dma_wait3A_158 = tpu.memref_slice %arg4[%add3A_114] : memref<2621440xf32, #tpu.memory_space<hbm>> -> memref<8192xf32, #tpu.memory_space<hbm>>
      %dma_wait3A_159 = arith.constant 40960 : i32
      %dma_wait3A_160 = tpu.memref_slice %arg9[%dma_wait3A_159] : memref<81920xf32, #tpu.memory_space<vmem>> -> memref<8192xf32, #tpu.memory_space<vmem>>
      tpu.wait_dma2 semaphore(%run_scoped3A : memref<!tpu.dma_semaphore, #tpu.memory_space<semaphore_mem>>) src(%dma_wait3A_160 : memref<8192xf32, #tpu.memory_space<vmem>>) dst(%dma_wait3A_158 : memref<8192xf32, #tpu.memory_space<hbm>>)
      tpu.yield
    }) : () -> ()
    %mul3A_115 = arith.constant 10 : i32
    %mul3A_116 = arith.muli %select_n3A, %mul3A_115 : i32
    %add3A_117 = arith.constant 6 : i32
    %add3A_118 = arith.addi %mul3A_116, %add3A_117 : i32
    %mul3A_119 = arith.constant 65536 : i32
    %mul3A_120 = arith.muli %add3A_118, %mul3A_119 : i32
    %mul3A_121 = arith.constant 16 : i32
    %mul3A_122 = arith.muli %mul3A_32, %mul3A_121 : i32
    %add3A_123 = arith.addi %mul3A_120, %mul3A_122 : i32
    "tpu.region"() ({
      %run_scoped3A = tpu.sem_alloc : memref<!tpu.dma_semaphore, #tpu.memory_space<semaphore_mem>>
      %dma_start3A = arith.constant 49152 : i32
      %dma_start3A_151 = tpu.memref_slice %arg9[%dma_start3A] : memref<81920xf32, #tpu.memory_space<vmem>> -> memref<8192xf32, #tpu.memory_space<vmem>>
      %dma_start3A_152 = tpu.memref_slice %arg4[%add3A_123] : memref<2621440xf32, #tpu.memory_space<hbm>> -> memref<8192xf32, #tpu.memory_space<hbm>>
      %dma_start3A_153 = tpu.memref_slice %arg4[%add3A_123] : memref<2621440xf32, #tpu.memory_space<hbm>> -> memref<8192xf32, #tpu.memory_space<hbm>>
      %dma_start3A_154 = arith.constant 49152 : i32
      %dma_start3A_155 = tpu.memref_slice %arg9[%dma_start3A_154] : memref<81920xf32, #tpu.memory_space<vmem>> -> memref<8192xf32, #tpu.memory_space<vmem>>
      tpu.enqueue_dma source(%dma_start3A_155 : memref<8192xf32, #tpu.memory_space<vmem>>) target(%dma_start3A_153 : memref<8192xf32, #tpu.memory_space<hbm>>) target_semaphore(%run_scoped3A : memref<!tpu.dma_semaphore, #tpu.memory_space<semaphore_mem>>)
      %dma_wait3A = arith.constant 49152 : i32
      %dma_wait3A_156 = tpu.memref_slice %arg9[%dma_wait3A] : memref<81920xf32, #tpu.memory_space<vmem>> -> memref<8192xf32, #tpu.memory_space<vmem>>
      %dma_wait3A_157 = tpu.memref_slice %arg4[%add3A_123] : memref<2621440xf32, #tpu.memory_space<hbm>> -> memref<8192xf32, #tpu.memory_space<hbm>>
      %dma_wait3A_158 = tpu.memref_slice %arg4[%add3A_123] : memref<2621440xf32, #tpu.memory_space<hbm>> -> memref<8192xf32, #tpu.memory_space<hbm>>
      %dma_wait3A_159 = arith.constant 49152 : i32
      %dma_wait3A_160 = tpu.memref_slice %arg9[%dma_wait3A_159] : memref<81920xf32, #tpu.memory_space<vmem>> -> memref<8192xf32, #tpu.memory_space<vmem>>
      tpu.wait_dma2 semaphore(%run_scoped3A : memref<!tpu.dma_semaphore, #tpu.memory_space<semaphore_mem>>) src(%dma_wait3A_160 : memref<8192xf32, #tpu.memory_space<vmem>>) dst(%dma_wait3A_158 : memref<8192xf32, #tpu.memory_space<hbm>>)
      tpu.yield
    }) : () -> ()
    %mul3A_124 = arith.constant 10 : i32
    %mul3A_125 = arith.muli %select_n3A, %mul3A_124 : i32
    %add3A_126 = arith.constant 7 : i32
    %add3A_127 = arith.addi %mul3A_125, %add3A_126 : i32
    %mul3A_128 = arith.constant 65536 : i32
    %mul3A_129 = arith.muli %add3A_127, %mul3A_128 : i32
    %mul3A_130 = arith.constant 16 : i32
    %mul3A_131 = arith.muli %mul3A_32, %mul3A_130 : i32
    %add3A_132 = arith.addi %mul3A_129, %mul3A_131 : i32
    "tpu.region"() ({
      %run_scoped3A = tpu.sem_alloc : memref<!tpu.dma_semaphore, #tpu.memory_space<semaphore_mem>>
      %dma_start3A = arith.constant 57344 : i32
      %dma_start3A_151 = tpu.memref_slice %arg9[%dma_start3A] : memref<81920xf32, #tpu.memory_space<vmem>> -> memref<8192xf32, #tpu.memory_space<vmem>>
      %dma_start3A_152 = tpu.memref_slice %arg4[%add3A_132] : memref<2621440xf32, #tpu.memory_space<hbm>> -> memref<8192xf32, #tpu.memory_space<hbm>>
      %dma_start3A_153 = tpu.memref_slice %arg4[%add3A_132] : memref<2621440xf32, #tpu.memory_space<hbm>> -> memref<8192xf32, #tpu.memory_space<hbm>>
      %dma_start3A_154 = arith.constant 57344 : i32
      %dma_start3A_155 = tpu.memref_slice %arg9[%dma_start3A_154] : memref<81920xf32, #tpu.memory_space<vmem>> -> memref<8192xf32, #tpu.memory_space<vmem>>
      tpu.enqueue_dma source(%dma_start3A_155 : memref<8192xf32, #tpu.memory_space<vmem>>) target(%dma_start3A_153 : memref<8192xf32, #tpu.memory_space<hbm>>) target_semaphore(%run_scoped3A : memref<!tpu.dma_semaphore, #tpu.memory_space<semaphore_mem>>)
      %dma_wait3A = arith.constant 57344 : i32
      %dma_wait3A_156 = tpu.memref_slice %arg9[%dma_wait3A] : memref<81920xf32, #tpu.memory_space<vmem>> -> memref<8192xf32, #tpu.memory_space<vmem>>
      %dma_wait3A_157 = tpu.memref_slice %arg4[%add3A_132] : memref<2621440xf32, #tpu.memory_space<hbm>> -> memref<8192xf32, #tpu.memory_space<hbm>>
      %dma_wait3A_158 = tpu.memref_slice %arg4[%add3A_132] : memref<2621440xf32, #tpu.memory_space<hbm>> -> memref<8192xf32, #tpu.memory_space<hbm>>
      %dma_wait3A_159 = arith.constant 57344 : i32
      %dma_wait3A_160 = tpu.memref_slice %arg9[%dma_wait3A_159] : memref<81920xf32, #tpu.memory_space<vmem>> -> memref<8192xf32, #tpu.memory_space<vmem>>
      tpu.wait_dma2 semaphore(%run_scoped3A : memref<!tpu.dma_semaphore, #tpu.memory_space<semaphore_mem>>) src(%dma_wait3A_160 : memref<8192xf32, #tpu.memory_space<vmem>>) dst(%dma_wait3A_158 : memref<8192xf32, #tpu.memory_space<hbm>>)
      tpu.yield
    }) : () -> ()
    %mul3A_133 = arith.constant 10 : i32
    %mul3A_134 = arith.muli %select_n3A, %mul3A_133 : i32
    %add3A_135 = arith.constant 8 : i32
    %add3A_136 = arith.addi %mul3A_134, %add3A_135 : i32
    %mul3A_137 = arith.constant 65536 : i32
    %mul3A_138 = arith.muli %add3A_136, %mul3A_137 : i32
    %mul3A_139 = arith.constant 16 : i32
    %mul3A_140 = arith.muli %mul3A_32, %mul3A_139 : i32
    %add3A_141 = arith.addi %mul3A_138, %mul3A_140 : i32
    "tpu.region"() ({
      %run_scoped3A = tpu.sem_alloc : memref<!tpu.dma_semaphore, #tpu.memory_space<semaphore_mem>>
      %dma_start3A = arith.constant 65536 : i32
      %dma_start3A_151 = tpu.memref_slice %arg9[%dma_start3A] : memref<81920xf32, #tpu.memory_space<vmem>> -> memref<8192xf32, #tpu.memory_space<vmem>>
      %dma_start3A_152 = tpu.memref_slice %arg4[%add3A_141] : memref<2621440xf32, #tpu.memory_space<hbm>> -> memref<8192xf32, #tpu.memory_space<hbm>>
      %dma_start3A_153 = tpu.memref_slice %arg4[%add3A_141] : memref<2621440xf32, #tpu.memory_space<hbm>> -> memref<8192xf32, #tpu.memory_space<hbm>>
      %dma_start3A_154 = arith.constant 65536 : i32
      %dma_start3A_155 = tpu.memref_slice %arg9[%dma_start3A_154] : memref<81920xf32, #tpu.memory_space<vmem>> -> memref<8192xf32, #tpu.memory_space<vmem>>
      tpu.enqueue_dma source(%dma_start3A_155 : memref<8192xf32, #tpu.memory_space<vmem>>) target(%dma_start3A_153 : memref<8192xf32, #tpu.memory_space<hbm>>) target_semaphore(%run_scoped3A : memref<!tpu.dma_semaphore, #tpu.memory_space<semaphore_mem>>)
      %dma_wait3A = arith.constant 65536 : i32
      %dma_wait3A_156 = tpu.memref_slice %arg9[%dma_wait3A] : memref<81920xf32, #tpu.memory_space<vmem>> -> memref<8192xf32, #tpu.memory_space<vmem>>
      %dma_wait3A_157 = tpu.memref_slice %arg4[%add3A_141] : memref<2621440xf32, #tpu.memory_space<hbm>> -> memref<8192xf32, #tpu.memory_space<hbm>>
      %dma_wait3A_158 = tpu.memref_slice %arg4[%add3A_141] : memref<2621440xf32, #tpu.memory_space<hbm>> -> memref<8192xf32, #tpu.memory_space<hbm>>
      %dma_wait3A_159 = arith.constant 65536 : i32
      %dma_wait3A_160 = tpu.memref_slice %arg9[%dma_wait3A_159] : memref<81920xf32, #tpu.memory_space<vmem>> -> memref<8192xf32, #tpu.memory_space<vmem>>
      tpu.wait_dma2 semaphore(%run_scoped3A : memref<!tpu.dma_semaphore, #tpu.memory_space<semaphore_mem>>) src(%dma_wait3A_160 : memref<8192xf32, #tpu.memory_space<vmem>>) dst(%dma_wait3A_158 : memref<8192xf32, #tpu.memory_space<hbm>>)
      tpu.yield
    }) : () -> ()
    %mul3A_142 = arith.constant 10 : i32
    %mul3A_143 = arith.muli %select_n3A, %mul3A_142 : i32
    %add3A_144 = arith.constant 9 : i32
    %add3A_145 = arith.addi %mul3A_143, %add3A_144 : i32
    %mul3A_146 = arith.constant 65536 : i32
    %mul3A_147 = arith.muli %add3A_145, %mul3A_146 : i32
    %mul3A_148 = arith.constant 16 : i32
    %mul3A_149 = arith.muli %mul3A_32, %mul3A_148 : i32
    %add3A_150 = arith.addi %mul3A_147, %mul3A_149 : i32
    "tpu.region"() ({
      %run_scoped3A = tpu.sem_alloc : memref<!tpu.dma_semaphore, #tpu.memory_space<semaphore_mem>>
      %dma_start3A = arith.constant 73728 : i32
      %dma_start3A_151 = tpu.memref_slice %arg9[%dma_start3A] : memref<81920xf32, #tpu.memory_space<vmem>> -> memref<8192xf32, #tpu.memory_space<vmem>>
      %dma_start3A_152 = tpu.memref_slice %arg4[%add3A_150] : memref<2621440xf32, #tpu.memory_space<hbm>> -> memref<8192xf32, #tpu.memory_space<hbm>>
      %dma_start3A_153 = tpu.memref_slice %arg4[%add3A_150] : memref<2621440xf32, #tpu.memory_space<hbm>> -> memref<8192xf32, #tpu.memory_space<hbm>>
      %dma_start3A_154 = arith.constant 73728 : i32
      %dma_start3A_155 = tpu.memref_slice %arg9[%dma_start3A_154] : memref<81920xf32, #tpu.memory_space<vmem>> -> memref<8192xf32, #tpu.memory_space<vmem>>
      tpu.enqueue_dma source(%dma_start3A_155 : memref<8192xf32, #tpu.memory_space<vmem>>) target(%dma_start3A_153 : memref<8192xf32, #tpu.memory_space<hbm>>) target_semaphore(%run_scoped3A : memref<!tpu.dma_semaphore, #tpu.memory_space<semaphore_mem>>)
      %dma_wait3A = arith.constant 73728 : i32
      %dma_wait3A_156 = tpu.memref_slice %arg9[%dma_wait3A] : memref<81920xf32, #tpu.memory_space<vmem>> -> memref<8192xf32, #tpu.memory_space<vmem>>
      %dma_wait3A_157 = tpu.memref_slice %arg4[%add3A_150] : memref<2621440xf32, #tpu.memory_space<hbm>> -> memref<8192xf32, #tpu.memory_space<hbm>>
      %dma_wait3A_158 = tpu.memref_slice %arg4[%add3A_150] : memref<2621440xf32, #tpu.memory_space<hbm>> -> memref<8192xf32, #tpu.memory_space<hbm>>
      %dma_wait3A_159 = arith.constant 73728 : i32
      %dma_wait3A_160 = tpu.memref_slice %arg9[%dma_wait3A_159] : memref<81920xf32, #tpu.memory_space<vmem>> -> memref<8192xf32, #tpu.memory_space<vmem>>
      tpu.wait_dma2 semaphore(%run_scoped3A : memref<!tpu.dma_semaphore, #tpu.memory_space<semaphore_mem>>) src(%dma_wait3A_160 : memref<8192xf32, #tpu.memory_space<vmem>>) dst(%dma_wait3A_158 : memref<8192xf32, #tpu.memory_space<hbm>>)
      tpu.yield
    }) : () -> ()
    return
  }
}

module attributes {stable_mosaic.version = 14 : i64} {
  func.func @_knn_body(%arg0: i32, %arg1: i32, %arg2: memref<1x512x3xf32, #tpu.memory_space<vmem>>, %arg3: memref<1x3x4096xf32, #tpu.memory_space<vmem>>, %arg4: memref<1x512x16xi32, #tpu.memory_space<vmem>>) attributes {dimension_semantics = [#tpu.dimension_semantics<arbitrary>, #tpu.dimension_semantics<arbitrary>], iteration_bounds = array<i64: 4, 8>, scalar_prefetch = 0 : i64, scratch_operands = 0 : i64, tpu.core_type = #tpu.core_type<tc>, window_params = [{transform_indices = @transform_0, window_bounds = array<i64: 1, 512, 3>}, {transform_indices = @transform_1, window_bounds = array<i64: 1, 3, 4096>}, {transform_indices = @transform_2, window_bounds = array<i64: 1, 512, 16>}]} {
    %get3A = arith.constant 0 : index
    %get3A_0 = arith.constant 0 : index
    %get3A_1 = arith.constant 0 : index
    %get3A_2 = vector.load %arg2[%get3A, %get3A_0, %get3A_1] : memref<1x512x3xf32, #tpu.memory_space<vmem>>, vector<1x512x3xf32>
    %get3A_3 = vector.shape_cast %get3A_2 : vector<1x512x3xf32> to vector<512x3xf32>
    %get3A_4 = arith.constant 0 : index
    %get3A_5 = arith.constant 0 : index
    %get3A_6 = arith.constant 0 : index
    %get3A_7 = vector.load %arg3[%get3A_4, %get3A_5, %get3A_6] : memref<1x3x4096xf32, #tpu.memory_space<vmem>>, vector<1x3x4096xf32>
    %get3A_8 = vector.shape_cast %get3A_7 : vector<1x3x4096xf32> to vector<3x4096xf32>
    %dot_general3A = arith.constant dense<0.000000e+00> : vector<512x4096xf32>
    %dot_general3A_9 = tpu.matmul %get3A_3, %get3A_8, %dot_general3A {dimension_numbers = #tpu.dot_dimension_numbers<[1], [0], [0], [1], [0, 0, 1, 1], [], []>, transpose_lhs_hint = false} : vector<512x3xf32>, vector<3x4096xf32>, vector<512x4096xf32> -> vector<512x4096xf32>
    %mul3A = arith.mulf %get3A_3, %get3A_3 : vector<512x3xf32>
    %reduce_sum3A = arith.constant dense<0.000000e+00> : vector<512xf32>
    %reduce_sum3A_10 = vector.multi_reduction <add>, %mul3A, %reduce_sum3A [1] : vector<512x3xf32> to vector<512xf32>
    %broadcast_in_dim3A = vector.shape_cast %reduce_sum3A_10 : vector<512xf32> to vector<512x1xf32>
    %mul3A_11 = arith.mulf %get3A_8, %get3A_8 : vector<3x4096xf32>
    %reduce_sum3A_12 = arith.constant dense<0.000000e+00> : vector<4096xf32>
    %reduce_sum3A_13 = vector.multi_reduction <add>, %mul3A_11, %reduce_sum3A_12 [0] : vector<3x4096xf32> to vector<4096xf32>
    %broadcast_in_dim3A_14 = vector.shape_cast %reduce_sum3A_13 : vector<4096xf32> to vector<1x4096xf32>
    %mul3A_15 = arith.constant 2.000000e+00 : f32
    %mul3A_16 = vector.broadcast %mul3A_15 : f32 to vector<512x4096xf32>
    %mul3A_17 = arith.mulf %mul3A_16, %dot_general3A_9 : vector<512x4096xf32>
    %sub3A = vector.broadcast %broadcast_in_dim3A : vector<512x1xf32> to vector<512x4096xf32>
    %sub3A_18 = arith.subf %sub3A, %mul3A_17 : vector<512x4096xf32>
    %add3A = vector.broadcast %broadcast_in_dim3A_14 : vector<1x4096xf32> to vector<512x4096xf32>
    %add3A_19 = arith.addf %sub3A_18, %add3A : vector<512x4096xf32>
    %iota3A = tpu.iota {dimensions = array<i32: 1>} : vector<512x4096xi32>
    %iota3A_20 = tpu.iota {dimensions = array<i32: 1>} : vector<512x16xi32>
    %broadcast_in_dim3A_21 = arith.constant 0 : i32
    %broadcast_in_dim3A_22 = vector.broadcast %broadcast_in_dim3A_21 : i32 to vector<512x16xi32>
    %argmin3A = tpu.reduce_index %add3A_19 {axis = 1 : i32, kind = #tpu.reduction_kind<arg_min>} : vector<512x4096xf32> -> vector<512xi32>
    %eq3A = arith.constant 0 : i32
    %eq3A_23 = vector.broadcast %eq3A : i32 to vector<512x16xi32>
    %eq3A_24 = arith.cmpi eq, %iota3A_20, %eq3A_23 : vector<512x16xi32>
    %broadcast_in_dim3A_25 = vector.shape_cast %argmin3A : vector<512xi32> to vector<512x1xi32>
    %broadcast_in_dim3A_26 = vector.shape_cast %broadcast_in_dim3A_25 : vector<512x1xi32> to vector<512x1xi32>
    %broadcast_in_dim3A_27 = vector.broadcast %broadcast_in_dim3A_26 : vector<512x1xi32> to vector<512x16xi32>
    %select_n3A = arith.select %eq3A_24, %broadcast_in_dim3A_27, %broadcast_in_dim3A_22 : vector<512x16xi1>, vector<512x16xi32>
    %broadcast_in_dim3A_28 = vector.shape_cast %argmin3A : vector<512xi32> to vector<512x1xi32>
    %eq3A_29 = vector.broadcast %broadcast_in_dim3A_28 : vector<512x1xi32> to vector<512x4096xi32>
    %eq3A_30 = arith.cmpi eq, %iota3A, %eq3A_29 : vector<512x4096xi32>
    %jit3A = arith.constant 0x7F800000 : f32
    %broadcast_in_dim3A_31 = vector.broadcast %jit3A : f32 to vector<512x4096xf32>
    %select_n3A_32 = arith.select %eq3A_30, %broadcast_in_dim3A_31, %add3A_19 : vector<512x4096xi1>, vector<512x4096xf32>
    %argmin3A_33 = tpu.reduce_index %select_n3A_32 {axis = 1 : i32, kind = #tpu.reduction_kind<arg_min>} : vector<512x4096xf32> -> vector<512xi32>
    %eq3A_34 = arith.constant 1 : i32
    %eq3A_35 = vector.broadcast %eq3A_34 : i32 to vector<512x16xi32>
    %eq3A_36 = arith.cmpi eq, %iota3A_20, %eq3A_35 : vector<512x16xi32>
    %broadcast_in_dim3A_37 = vector.shape_cast %argmin3A_33 : vector<512xi32> to vector<512x1xi32>
    %broadcast_in_dim3A_38 = vector.shape_cast %broadcast_in_dim3A_37 : vector<512x1xi32> to vector<512x1xi32>
    %broadcast_in_dim3A_39 = vector.broadcast %broadcast_in_dim3A_38 : vector<512x1xi32> to vector<512x16xi32>
    %select_n3A_40 = arith.select %eq3A_36, %broadcast_in_dim3A_39, %select_n3A : vector<512x16xi1>, vector<512x16xi32>
    %broadcast_in_dim3A_41 = vector.shape_cast %argmin3A_33 : vector<512xi32> to vector<512x1xi32>
    %eq3A_42 = vector.broadcast %broadcast_in_dim3A_41 : vector<512x1xi32> to vector<512x4096xi32>
    %eq3A_43 = arith.cmpi eq, %iota3A, %eq3A_42 : vector<512x4096xi32>
    %jit3A_44 = arith.constant 0x7F800000 : f32
    %broadcast_in_dim3A_45 = vector.broadcast %jit3A_44 : f32 to vector<512x4096xf32>
    %select_n3A_46 = arith.select %eq3A_43, %broadcast_in_dim3A_45, %select_n3A_32 : vector<512x4096xi1>, vector<512x4096xf32>
    %argmin3A_47 = tpu.reduce_index %select_n3A_46 {axis = 1 : i32, kind = #tpu.reduction_kind<arg_min>} : vector<512x4096xf32> -> vector<512xi32>
    %eq3A_48 = arith.constant 2 : i32
    %eq3A_49 = vector.broadcast %eq3A_48 : i32 to vector<512x16xi32>
    %eq3A_50 = arith.cmpi eq, %iota3A_20, %eq3A_49 : vector<512x16xi32>
    %broadcast_in_dim3A_51 = vector.shape_cast %argmin3A_47 : vector<512xi32> to vector<512x1xi32>
    %broadcast_in_dim3A_52 = vector.shape_cast %broadcast_in_dim3A_51 : vector<512x1xi32> to vector<512x1xi32>
    %broadcast_in_dim3A_53 = vector.broadcast %broadcast_in_dim3A_52 : vector<512x1xi32> to vector<512x16xi32>
    %select_n3A_54 = arith.select %eq3A_50, %broadcast_in_dim3A_53, %select_n3A_40 : vector<512x16xi1>, vector<512x16xi32>
    %broadcast_in_dim3A_55 = vector.shape_cast %argmin3A_47 : vector<512xi32> to vector<512x1xi32>
    %eq3A_56 = vector.broadcast %broadcast_in_dim3A_55 : vector<512x1xi32> to vector<512x4096xi32>
    %eq3A_57 = arith.cmpi eq, %iota3A, %eq3A_56 : vector<512x4096xi32>
    %jit3A_58 = arith.constant 0x7F800000 : f32
    %broadcast_in_dim3A_59 = vector.broadcast %jit3A_58 : f32 to vector<512x4096xf32>
    %select_n3A_60 = arith.select %eq3A_57, %broadcast_in_dim3A_59, %select_n3A_46 : vector<512x4096xi1>, vector<512x4096xf32>
    %argmin3A_61 = tpu.reduce_index %select_n3A_60 {axis = 1 : i32, kind = #tpu.reduction_kind<arg_min>} : vector<512x4096xf32> -> vector<512xi32>
    %eq3A_62 = arith.constant 3 : i32
    %eq3A_63 = vector.broadcast %eq3A_62 : i32 to vector<512x16xi32>
    %eq3A_64 = arith.cmpi eq, %iota3A_20, %eq3A_63 : vector<512x16xi32>
    %broadcast_in_dim3A_65 = vector.shape_cast %argmin3A_61 : vector<512xi32> to vector<512x1xi32>
    %broadcast_in_dim3A_66 = vector.shape_cast %broadcast_in_dim3A_65 : vector<512x1xi32> to vector<512x1xi32>
    %broadcast_in_dim3A_67 = vector.broadcast %broadcast_in_dim3A_66 : vector<512x1xi32> to vector<512x16xi32>
    %select_n3A_68 = arith.select %eq3A_64, %broadcast_in_dim3A_67, %select_n3A_54 : vector<512x16xi1>, vector<512x16xi32>
    %broadcast_in_dim3A_69 = vector.shape_cast %argmin3A_61 : vector<512xi32> to vector<512x1xi32>
    %eq3A_70 = vector.broadcast %broadcast_in_dim3A_69 : vector<512x1xi32> to vector<512x4096xi32>
    %eq3A_71 = arith.cmpi eq, %iota3A, %eq3A_70 : vector<512x4096xi32>
    %jit3A_72 = arith.constant 0x7F800000 : f32
    %broadcast_in_dim3A_73 = vector.broadcast %jit3A_72 : f32 to vector<512x4096xf32>
    %select_n3A_74 = arith.select %eq3A_71, %broadcast_in_dim3A_73, %select_n3A_60 : vector<512x4096xi1>, vector<512x4096xf32>
    %argmin3A_75 = tpu.reduce_index %select_n3A_74 {axis = 1 : i32, kind = #tpu.reduction_kind<arg_min>} : vector<512x4096xf32> -> vector<512xi32>
    %eq3A_76 = arith.constant 4 : i32
    %eq3A_77 = vector.broadcast %eq3A_76 : i32 to vector<512x16xi32>
    %eq3A_78 = arith.cmpi eq, %iota3A_20, %eq3A_77 : vector<512x16xi32>
    %broadcast_in_dim3A_79 = vector.shape_cast %argmin3A_75 : vector<512xi32> to vector<512x1xi32>
    %broadcast_in_dim3A_80 = vector.shape_cast %broadcast_in_dim3A_79 : vector<512x1xi32> to vector<512x1xi32>
    %broadcast_in_dim3A_81 = vector.broadcast %broadcast_in_dim3A_80 : vector<512x1xi32> to vector<512x16xi32>
    %select_n3A_82 = arith.select %eq3A_78, %broadcast_in_dim3A_81, %select_n3A_68 : vector<512x16xi1>, vector<512x16xi32>
    %broadcast_in_dim3A_83 = vector.shape_cast %argmin3A_75 : vector<512xi32> to vector<512x1xi32>
    %eq3A_84 = vector.broadcast %broadcast_in_dim3A_83 : vector<512x1xi32> to vector<512x4096xi32>
    %eq3A_85 = arith.cmpi eq, %iota3A, %eq3A_84 : vector<512x4096xi32>
    %jit3A_86 = arith.constant 0x7F800000 : f32
    %broadcast_in_dim3A_87 = vector.broadcast %jit3A_86 : f32 to vector<512x4096xf32>
    %select_n3A_88 = arith.select %eq3A_85, %broadcast_in_dim3A_87, %select_n3A_74 : vector<512x4096xi1>, vector<512x4096xf32>
    %argmin3A_89 = tpu.reduce_index %select_n3A_88 {axis = 1 : i32, kind = #tpu.reduction_kind<arg_min>} : vector<512x4096xf32> -> vector<512xi32>
    %eq3A_90 = arith.constant 5 : i32
    %eq3A_91 = vector.broadcast %eq3A_90 : i32 to vector<512x16xi32>
    %eq3A_92 = arith.cmpi eq, %iota3A_20, %eq3A_91 : vector<512x16xi32>
    %broadcast_in_dim3A_93 = vector.shape_cast %argmin3A_89 : vector<512xi32> to vector<512x1xi32>
    %broadcast_in_dim3A_94 = vector.shape_cast %broadcast_in_dim3A_93 : vector<512x1xi32> to vector<512x1xi32>
    %broadcast_in_dim3A_95 = vector.broadcast %broadcast_in_dim3A_94 : vector<512x1xi32> to vector<512x16xi32>
    %select_n3A_96 = arith.select %eq3A_92, %broadcast_in_dim3A_95, %select_n3A_82 : vector<512x16xi1>, vector<512x16xi32>
    %broadcast_in_dim3A_97 = vector.shape_cast %argmin3A_89 : vector<512xi32> to vector<512x1xi32>
    %eq3A_98 = vector.broadcast %broadcast_in_dim3A_97 : vector<512x1xi32> to vector<512x4096xi32>
    %eq3A_99 = arith.cmpi eq, %iota3A, %eq3A_98 : vector<512x4096xi32>
    %jit3A_100 = arith.constant 0x7F800000 : f32
    %broadcast_in_dim3A_101 = vector.broadcast %jit3A_100 : f32 to vector<512x4096xf32>
    %select_n3A_102 = arith.select %eq3A_99, %broadcast_in_dim3A_101, %select_n3A_88 : vector<512x4096xi1>, vector<512x4096xf32>
    %argmin3A_103 = tpu.reduce_index %select_n3A_102 {axis = 1 : i32, kind = #tpu.reduction_kind<arg_min>} : vector<512x4096xf32> -> vector<512xi32>
    %eq3A_104 = arith.constant 6 : i32
    %eq3A_105 = vector.broadcast %eq3A_104 : i32 to vector<512x16xi32>
    %eq3A_106 = arith.cmpi eq, %iota3A_20, %eq3A_105 : vector<512x16xi32>
    %broadcast_in_dim3A_107 = vector.shape_cast %argmin3A_103 : vector<512xi32> to vector<512x1xi32>
    %broadcast_in_dim3A_108 = vector.shape_cast %broadcast_in_dim3A_107 : vector<512x1xi32> to vector<512x1xi32>
    %broadcast_in_dim3A_109 = vector.broadcast %broadcast_in_dim3A_108 : vector<512x1xi32> to vector<512x16xi32>
    %select_n3A_110 = arith.select %eq3A_106, %broadcast_in_dim3A_109, %select_n3A_96 : vector<512x16xi1>, vector<512x16xi32>
    %broadcast_in_dim3A_111 = vector.shape_cast %argmin3A_103 : vector<512xi32> to vector<512x1xi32>
    %eq3A_112 = vector.broadcast %broadcast_in_dim3A_111 : vector<512x1xi32> to vector<512x4096xi32>
    %eq3A_113 = arith.cmpi eq, %iota3A, %eq3A_112 : vector<512x4096xi32>
    %jit3A_114 = arith.constant 0x7F800000 : f32
    %broadcast_in_dim3A_115 = vector.broadcast %jit3A_114 : f32 to vector<512x4096xf32>
    %select_n3A_116 = arith.select %eq3A_113, %broadcast_in_dim3A_115, %select_n3A_102 : vector<512x4096xi1>, vector<512x4096xf32>
    %argmin3A_117 = tpu.reduce_index %select_n3A_116 {axis = 1 : i32, kind = #tpu.reduction_kind<arg_min>} : vector<512x4096xf32> -> vector<512xi32>
    %eq3A_118 = arith.constant 7 : i32
    %eq3A_119 = vector.broadcast %eq3A_118 : i32 to vector<512x16xi32>
    %eq3A_120 = arith.cmpi eq, %iota3A_20, %eq3A_119 : vector<512x16xi32>
    %broadcast_in_dim3A_121 = vector.shape_cast %argmin3A_117 : vector<512xi32> to vector<512x1xi32>
    %broadcast_in_dim3A_122 = vector.shape_cast %broadcast_in_dim3A_121 : vector<512x1xi32> to vector<512x1xi32>
    %broadcast_in_dim3A_123 = vector.broadcast %broadcast_in_dim3A_122 : vector<512x1xi32> to vector<512x16xi32>
    %select_n3A_124 = arith.select %eq3A_120, %broadcast_in_dim3A_123, %select_n3A_110 : vector<512x16xi1>, vector<512x16xi32>
    %broadcast_in_dim3A_125 = vector.shape_cast %argmin3A_117 : vector<512xi32> to vector<512x1xi32>
    %eq3A_126 = vector.broadcast %broadcast_in_dim3A_125 : vector<512x1xi32> to vector<512x4096xi32>
    %eq3A_127 = arith.cmpi eq, %iota3A, %eq3A_126 : vector<512x4096xi32>
    %jit3A_128 = arith.constant 0x7F800000 : f32
    %broadcast_in_dim3A_129 = vector.broadcast %jit3A_128 : f32 to vector<512x4096xf32>
    %select_n3A_130 = arith.select %eq3A_127, %broadcast_in_dim3A_129, %select_n3A_116 : vector<512x4096xi1>, vector<512x4096xf32>
    %argmin3A_131 = tpu.reduce_index %select_n3A_130 {axis = 1 : i32, kind = #tpu.reduction_kind<arg_min>} : vector<512x4096xf32> -> vector<512xi32>
    %eq3A_132 = arith.constant 8 : i32
    %eq3A_133 = vector.broadcast %eq3A_132 : i32 to vector<512x16xi32>
    %eq3A_134 = arith.cmpi eq, %iota3A_20, %eq3A_133 : vector<512x16xi32>
    %broadcast_in_dim3A_135 = vector.shape_cast %argmin3A_131 : vector<512xi32> to vector<512x1xi32>
    %broadcast_in_dim3A_136 = vector.shape_cast %broadcast_in_dim3A_135 : vector<512x1xi32> to vector<512x1xi32>
    %broadcast_in_dim3A_137 = vector.broadcast %broadcast_in_dim3A_136 : vector<512x1xi32> to vector<512x16xi32>
    %select_n3A_138 = arith.select %eq3A_134, %broadcast_in_dim3A_137, %select_n3A_124 : vector<512x16xi1>, vector<512x16xi32>
    %broadcast_in_dim3A_139 = vector.shape_cast %argmin3A_131 : vector<512xi32> to vector<512x1xi32>
    %eq3A_140 = vector.broadcast %broadcast_in_dim3A_139 : vector<512x1xi32> to vector<512x4096xi32>
    %eq3A_141 = arith.cmpi eq, %iota3A, %eq3A_140 : vector<512x4096xi32>
    %jit3A_142 = arith.constant 0x7F800000 : f32
    %broadcast_in_dim3A_143 = vector.broadcast %jit3A_142 : f32 to vector<512x4096xf32>
    %select_n3A_144 = arith.select %eq3A_141, %broadcast_in_dim3A_143, %select_n3A_130 : vector<512x4096xi1>, vector<512x4096xf32>
    %argmin3A_145 = tpu.reduce_index %select_n3A_144 {axis = 1 : i32, kind = #tpu.reduction_kind<arg_min>} : vector<512x4096xf32> -> vector<512xi32>
    %eq3A_146 = arith.constant 9 : i32
    %eq3A_147 = vector.broadcast %eq3A_146 : i32 to vector<512x16xi32>
    %eq3A_148 = arith.cmpi eq, %iota3A_20, %eq3A_147 : vector<512x16xi32>
    %broadcast_in_dim3A_149 = vector.shape_cast %argmin3A_145 : vector<512xi32> to vector<512x1xi32>
    %broadcast_in_dim3A_150 = vector.shape_cast %broadcast_in_dim3A_149 : vector<512x1xi32> to vector<512x1xi32>
    %broadcast_in_dim3A_151 = vector.broadcast %broadcast_in_dim3A_150 : vector<512x1xi32> to vector<512x16xi32>
    %select_n3A_152 = arith.select %eq3A_148, %broadcast_in_dim3A_151, %select_n3A_138 : vector<512x16xi1>, vector<512x16xi32>
    %broadcast_in_dim3A_153 = vector.shape_cast %argmin3A_145 : vector<512xi32> to vector<512x1xi32>
    %eq3A_154 = vector.broadcast %broadcast_in_dim3A_153 : vector<512x1xi32> to vector<512x4096xi32>
    %eq3A_155 = arith.cmpi eq, %iota3A, %eq3A_154 : vector<512x4096xi32>
    %jit3A_156 = arith.constant 0x7F800000 : f32
    %broadcast_in_dim3A_157 = vector.broadcast %jit3A_156 : f32 to vector<512x4096xf32>
    %select_n3A_158 = arith.select %eq3A_155, %broadcast_in_dim3A_157, %select_n3A_144 : vector<512x4096xi1>, vector<512x4096xf32>
    %argmin3A_159 = tpu.reduce_index %select_n3A_158 {axis = 1 : i32, kind = #tpu.reduction_kind<arg_min>} : vector<512x4096xf32> -> vector<512xi32>
    %eq3A_160 = arith.constant 10 : i32
    %eq3A_161 = vector.broadcast %eq3A_160 : i32 to vector<512x16xi32>
    %eq3A_162 = arith.cmpi eq, %iota3A_20, %eq3A_161 : vector<512x16xi32>
    %broadcast_in_dim3A_163 = vector.shape_cast %argmin3A_159 : vector<512xi32> to vector<512x1xi32>
    %broadcast_in_dim3A_164 = vector.shape_cast %broadcast_in_dim3A_163 : vector<512x1xi32> to vector<512x1xi32>
    %broadcast_in_dim3A_165 = vector.broadcast %broadcast_in_dim3A_164 : vector<512x1xi32> to vector<512x16xi32>
    %select_n3A_166 = arith.select %eq3A_162, %broadcast_in_dim3A_165, %select_n3A_152 : vector<512x16xi1>, vector<512x16xi32>
    %broadcast_in_dim3A_167 = vector.shape_cast %argmin3A_159 : vector<512xi32> to vector<512x1xi32>
    %eq3A_168 = vector.broadcast %broadcast_in_dim3A_167 : vector<512x1xi32> to vector<512x4096xi32>
    %eq3A_169 = arith.cmpi eq, %iota3A, %eq3A_168 : vector<512x4096xi32>
    %jit3A_170 = arith.constant 0x7F800000 : f32
    %broadcast_in_dim3A_171 = vector.broadcast %jit3A_170 : f32 to vector<512x4096xf32>
    %select_n3A_172 = arith.select %eq3A_169, %broadcast_in_dim3A_171, %select_n3A_158 : vector<512x4096xi1>, vector<512x4096xf32>
    %argmin3A_173 = tpu.reduce_index %select_n3A_172 {axis = 1 : i32, kind = #tpu.reduction_kind<arg_min>} : vector<512x4096xf32> -> vector<512xi32>
    %eq3A_174 = arith.constant 11 : i32
    %eq3A_175 = vector.broadcast %eq3A_174 : i32 to vector<512x16xi32>
    %eq3A_176 = arith.cmpi eq, %iota3A_20, %eq3A_175 : vector<512x16xi32>
    %broadcast_in_dim3A_177 = vector.shape_cast %argmin3A_173 : vector<512xi32> to vector<512x1xi32>
    %broadcast_in_dim3A_178 = vector.shape_cast %broadcast_in_dim3A_177 : vector<512x1xi32> to vector<512x1xi32>
    %broadcast_in_dim3A_179 = vector.broadcast %broadcast_in_dim3A_178 : vector<512x1xi32> to vector<512x16xi32>
    %select_n3A_180 = arith.select %eq3A_176, %broadcast_in_dim3A_179, %select_n3A_166 : vector<512x16xi1>, vector<512x16xi32>
    %broadcast_in_dim3A_181 = vector.shape_cast %argmin3A_173 : vector<512xi32> to vector<512x1xi32>
    %eq3A_182 = vector.broadcast %broadcast_in_dim3A_181 : vector<512x1xi32> to vector<512x4096xi32>
    %eq3A_183 = arith.cmpi eq, %iota3A, %eq3A_182 : vector<512x4096xi32>
    %jit3A_184 = arith.constant 0x7F800000 : f32
    %broadcast_in_dim3A_185 = vector.broadcast %jit3A_184 : f32 to vector<512x4096xf32>
    %select_n3A_186 = arith.select %eq3A_183, %broadcast_in_dim3A_185, %select_n3A_172 : vector<512x4096xi1>, vector<512x4096xf32>
    %argmin3A_187 = tpu.reduce_index %select_n3A_186 {axis = 1 : i32, kind = #tpu.reduction_kind<arg_min>} : vector<512x4096xf32> -> vector<512xi32>
    %eq3A_188 = arith.constant 12 : i32
    %eq3A_189 = vector.broadcast %eq3A_188 : i32 to vector<512x16xi32>
    %eq3A_190 = arith.cmpi eq, %iota3A_20, %eq3A_189 : vector<512x16xi32>
    %broadcast_in_dim3A_191 = vector.shape_cast %argmin3A_187 : vector<512xi32> to vector<512x1xi32>
    %broadcast_in_dim3A_192 = vector.shape_cast %broadcast_in_dim3A_191 : vector<512x1xi32> to vector<512x1xi32>
    %broadcast_in_dim3A_193 = vector.broadcast %broadcast_in_dim3A_192 : vector<512x1xi32> to vector<512x16xi32>
    %select_n3A_194 = arith.select %eq3A_190, %broadcast_in_dim3A_193, %select_n3A_180 : vector<512x16xi1>, vector<512x16xi32>
    %broadcast_in_dim3A_195 = vector.shape_cast %argmin3A_187 : vector<512xi32> to vector<512x1xi32>
    %eq3A_196 = vector.broadcast %broadcast_in_dim3A_195 : vector<512x1xi32> to vector<512x4096xi32>
    %eq3A_197 = arith.cmpi eq, %iota3A, %eq3A_196 : vector<512x4096xi32>
    %jit3A_198 = arith.constant 0x7F800000 : f32
    %broadcast_in_dim3A_199 = vector.broadcast %jit3A_198 : f32 to vector<512x4096xf32>
    %select_n3A_200 = arith.select %eq3A_197, %broadcast_in_dim3A_199, %select_n3A_186 : vector<512x4096xi1>, vector<512x4096xf32>
    %argmin3A_201 = tpu.reduce_index %select_n3A_200 {axis = 1 : i32, kind = #tpu.reduction_kind<arg_min>} : vector<512x4096xf32> -> vector<512xi32>
    %eq3A_202 = arith.constant 13 : i32
    %eq3A_203 = vector.broadcast %eq3A_202 : i32 to vector<512x16xi32>
    %eq3A_204 = arith.cmpi eq, %iota3A_20, %eq3A_203 : vector<512x16xi32>
    %broadcast_in_dim3A_205 = vector.shape_cast %argmin3A_201 : vector<512xi32> to vector<512x1xi32>
    %broadcast_in_dim3A_206 = vector.shape_cast %broadcast_in_dim3A_205 : vector<512x1xi32> to vector<512x1xi32>
    %broadcast_in_dim3A_207 = vector.broadcast %broadcast_in_dim3A_206 : vector<512x1xi32> to vector<512x16xi32>
    %select_n3A_208 = arith.select %eq3A_204, %broadcast_in_dim3A_207, %select_n3A_194 : vector<512x16xi1>, vector<512x16xi32>
    %broadcast_in_dim3A_209 = vector.shape_cast %argmin3A_201 : vector<512xi32> to vector<512x1xi32>
    %eq3A_210 = vector.broadcast %broadcast_in_dim3A_209 : vector<512x1xi32> to vector<512x4096xi32>
    %eq3A_211 = arith.cmpi eq, %iota3A, %eq3A_210 : vector<512x4096xi32>
    %jit3A_212 = arith.constant 0x7F800000 : f32
    %broadcast_in_dim3A_213 = vector.broadcast %jit3A_212 : f32 to vector<512x4096xf32>
    %select_n3A_214 = arith.select %eq3A_211, %broadcast_in_dim3A_213, %select_n3A_200 : vector<512x4096xi1>, vector<512x4096xf32>
    %argmin3A_215 = tpu.reduce_index %select_n3A_214 {axis = 1 : i32, kind = #tpu.reduction_kind<arg_min>} : vector<512x4096xf32> -> vector<512xi32>
    %eq3A_216 = arith.constant 14 : i32
    %eq3A_217 = vector.broadcast %eq3A_216 : i32 to vector<512x16xi32>
    %eq3A_218 = arith.cmpi eq, %iota3A_20, %eq3A_217 : vector<512x16xi32>
    %broadcast_in_dim3A_219 = vector.shape_cast %argmin3A_215 : vector<512xi32> to vector<512x1xi32>
    %broadcast_in_dim3A_220 = vector.shape_cast %broadcast_in_dim3A_219 : vector<512x1xi32> to vector<512x1xi32>
    %broadcast_in_dim3A_221 = vector.broadcast %broadcast_in_dim3A_220 : vector<512x1xi32> to vector<512x16xi32>
    %select_n3A_222 = arith.select %eq3A_218, %broadcast_in_dim3A_221, %select_n3A_208 : vector<512x16xi1>, vector<512x16xi32>
    %broadcast_in_dim3A_223 = vector.shape_cast %argmin3A_215 : vector<512xi32> to vector<512x1xi32>
    %eq3A_224 = vector.broadcast %broadcast_in_dim3A_223 : vector<512x1xi32> to vector<512x4096xi32>
    %eq3A_225 = arith.cmpi eq, %iota3A, %eq3A_224 : vector<512x4096xi32>
    %jit3A_226 = arith.constant 0x7F800000 : f32
    %broadcast_in_dim3A_227 = vector.broadcast %jit3A_226 : f32 to vector<512x4096xf32>
    %select_n3A_228 = arith.select %eq3A_225, %broadcast_in_dim3A_227, %select_n3A_214 : vector<512x4096xi1>, vector<512x4096xf32>
    %argmin3A_229 = tpu.reduce_index %select_n3A_228 {axis = 1 : i32, kind = #tpu.reduction_kind<arg_min>} : vector<512x4096xf32> -> vector<512xi32>
    %eq3A_230 = arith.constant 15 : i32
    %eq3A_231 = vector.broadcast %eq3A_230 : i32 to vector<512x16xi32>
    %eq3A_232 = arith.cmpi eq, %iota3A_20, %eq3A_231 : vector<512x16xi32>
    %broadcast_in_dim3A_233 = vector.shape_cast %argmin3A_229 : vector<512xi32> to vector<512x1xi32>
    %broadcast_in_dim3A_234 = vector.shape_cast %broadcast_in_dim3A_233 : vector<512x1xi32> to vector<512x1xi32>
    %broadcast_in_dim3A_235 = vector.broadcast %broadcast_in_dim3A_234 : vector<512x1xi32> to vector<512x16xi32>
    %select_n3A_236 = arith.select %eq3A_232, %broadcast_in_dim3A_235, %select_n3A_222 : vector<512x16xi1>, vector<512x16xi32>
    %swap3A = arith.constant 0 : index
    %swap3A_237 = arith.constant 0 : index
    %swap3A_238 = arith.constant 0 : index
    %swap3A_239 = vector.load %arg4[%swap3A, %swap3A_237, %swap3A_238] : memref<1x512x16xi32, #tpu.memory_space<vmem>>, vector<1x512x16xi32>
    %swap3A_240 = vector.shape_cast %swap3A_239 : vector<1x512x16xi32> to vector<512x16xi32>
    %swap3A_241 = vector.shape_cast %select_n3A_236 : vector<512x16xi32> to vector<1x512x16xi32>
    tpu.vector_store %arg4[%swap3A, %swap3A_237, %swap3A_238], %swap3A_241 {strides = array<i32>} : memref<1x512x16xi32, #tpu.memory_space<vmem>>, vector<1x512x16xi32>,
    return
  }
  func.func @transform_0(%arg0: i32, %arg1: i32) -> (i32, i32, i32) {
    %c0_i32 = arith.constant 0 : i32
    %c0_i32_0 = arith.constant 0 : i32
    return %arg0, %arg1, %c0_i32 : i32, i32, i32
  }
  func.func @transform_1(%arg0: i32, %arg1: i32) -> (i32, i32, i32) {
    %c0_i32 = arith.constant 0 : i32
    %c0_i32_0 = arith.constant 0 : i32
    %c0_i32_1 = arith.constant 0 : i32
    return %arg0, %c0_i32, %c0_i32_0 : i32, i32, i32
  }
  func.func @transform_2(%arg0: i32, %arg1: i32) -> (i32, i32, i32) {
    %c0_i32 = arith.constant 0 : i32
    %c0_i32_0 = arith.constant 0 : i32
    return %arg0, %arg1, %c0_i32 : i32, i32, i32
  }
}

module attributes {stable_mosaic.version = 14 : i64} {
  func.func @_mom1_body(%arg0: i32, %arg1: i32, %arg2: memref<1x10x8192xf32, #tpu.memory_space<vmem>>, %arg3: memref<32x10xf32, #tpu.memory_space<vmem>>, %arg4: memref<32x2xf32, #tpu.memory_space<vmem>>) attributes {dimension_semantics = [#tpu.dimension_semantics<arbitrary>, #tpu.dimension_semantics<arbitrary>], iteration_bounds = array<i64: 4, 8>, scalar_prefetch = 0 : i64, scratch_operands = 0 : i64, tpu.core_type = #tpu.core_type<tc>, window_params = [{transform_indices = @transform_0, window_bounds = array<i64: 1, 10, 8192>}, {pipeline_mode = #tpu.pipeline_mode<synchronous>, transform_indices = @transform_1, window_bounds = array<i64: 32, 10>}, {pipeline_mode = #tpu.pipeline_mode<synchronous>, transform_indices = @transform_2, window_bounds = array<i64: 32, 2>}]} {
    %eq3A = arith.constant 0 : i32
    %eq3A_0 = arith.cmpi eq, %arg0, %eq3A : i32
    %eq3A_1 = arith.constant 0 : i32
    %eq3A_2 = arith.cmpi eq, %arg1, %eq3A_1 : i32
    %and3A = arith.andi %eq3A_0, %eq3A_2 : i1
    %convert_element_type3A = arith.extui %and3A : i1 to i32
    %cond3A = arith.constant 0 : i32
    %cond3A_3 = arith.cmpi ne, %convert_element_type3A, %cond3A : i32
    scf.if %cond3A_3 {
      %broadcast_in_dim3A_21 = arith.constant 0.000000e+00 : f32
      %broadcast_in_dim3A_22 = vector.broadcast %broadcast_in_dim3A_21 : f32 to vector<32x2xf32>
      %swap3A_23 = arith.constant 0 : index
      %swap3A_24 = arith.constant 0 : index
      %swap3A_25 = vector.load %arg4[%swap3A_23, %swap3A_24] : memref<32x2xf32, #tpu.memory_space<vmem>>, vector<32x2xf32>
      tpu.vector_store %arg4[%swap3A_23, %swap3A_24], %broadcast_in_dim3A_22 {strides = array<i32>} : memref<32x2xf32, #tpu.memory_space<vmem>>, vector<32x2xf32>,
    } else {
    }
    %get3A = arith.constant 0 : index
    %get3A_4 = arith.constant 0 : index
    %get3A_5 = arith.constant 0 : index
    %get3A_6 = vector.load %arg2[%get3A, %get3A_4, %get3A_5] : memref<1x10x8192xf32, #tpu.memory_space<vmem>>, vector<1x10x8192xf32>
    %get3A_7 = vector.shape_cast %get3A_6 : vector<1x10x8192xf32> to vector<10x8192xf32>
    %get3A_8 = arith.constant 0 : index
    %get3A_9 = arith.constant 0 : index
    %get3A_10 = vector.load %arg3[%get3A_8, %get3A_9] : memref<32x10xf32, #tpu.memory_space<vmem>>, vector<32x10xf32>
    %dot_general3A = arith.constant dense<0.000000e+00> : vector<32x8192xf32>
    %dot_general3A_11 = tpu.matmul %get3A_10, %get3A_7, %dot_general3A {dimension_numbers = #tpu.dot_dimension_numbers<[1], [0], [0], [1], [0, 0, 1, 1], [], []>, transpose_lhs_hint = false} : vector<32x10xf32>, vector<10x8192xf32>, vector<32x8192xf32> -> vector<32x8192xf32>
    %reduce_sum3A = arith.constant dense<0.000000e+00> : vector<32xf32>
    %reduce_sum3A_12 = vector.multi_reduction <add>, %dot_general3A_11, %reduce_sum3A [1] : vector<32x8192xf32> to vector<32xf32>
    %broadcast_in_dim3A = vector.shape_cast %reduce_sum3A_12 : vector<32xf32> to vector<32x1xf32>
    %mul3A = arith.mulf %dot_general3A_11, %dot_general3A_11 : vector<32x8192xf32>
    %reduce_sum3A_13 = arith.constant dense<0.000000e+00> : vector<32xf32>
    %reduce_sum3A_14 = vector.multi_reduction <add>, %mul3A, %reduce_sum3A_13 [1] : vector<32x8192xf32> to vector<32xf32>
    %broadcast_in_dim3A_15 = vector.shape_cast %reduce_sum3A_14 : vector<32xf32> to vector<32x1xf32>
    %get3A_16 = arith.constant 0 : index
    %get3A_17 = arith.constant 0 : index
    %get3A_18 = vector.load %arg4[%get3A_16, %get3A_17] : memref<32x2xf32, #tpu.memory_space<vmem>>, vector<32x2xf32>
    %concatenate3A = tpu.concatenate %broadcast_in_dim3A, %broadcast_in_dim3A_15 in 1 : vector<32x1xf32>, vector<32x1xf32> -> vector<32x2xf32>
    %add3A = arith.addf %get3A_18, %concatenate3A : vector<32x2xf32>
    %swap3A = arith.constant 0 : index
    %swap3A_19 = arith.constant 0 : index
    %swap3A_20 = vector.load %arg4[%swap3A, %swap3A_19] : memref<32x2xf32, #tpu.memory_space<vmem>>, vector<32x2xf32>
    tpu.vector_store %arg4[%swap3A, %swap3A_19], %add3A {strides = array<i32>} : memref<32x2xf32, #tpu.memory_space<vmem>>, vector<32x2xf32>,
    return
  }
  func.func @transform_0(%arg0: i32, %arg1: i32) -> (i32, i32, i32) {
    %c0_i32 = arith.constant 0 : i32
    %c0_i32_0 = arith.constant 0 : i32
    return %arg0, %c0_i32, %arg1 : i32, i32, i32
  }
  func.func @transform_1(%arg0: i32, %arg1: i32) -> (i32, i32) {
    %c0_i32 = arith.constant 0 : i32
    %c0_i32_0 = arith.constant 0 : i32
    %c0_i32_1 = arith.constant 0 : i32
    return %c0_i32, %c0_i32_0 : i32, i32
  }
  func.func @transform_2(%arg0: i32, %arg1: i32) -> (i32, i32) {
    %c0_i32 = arith.constant 0 : i32
    %c0_i32_0 = arith.constant 0 : i32
    %c0_i32_1 = arith.constant 0 : i32
    return %c0_i32, %c0_i32_0 : i32, i32
  }
}

module attributes {stable_mosaic.version = 14 : i64} {
  func.func @_mom2_body(%arg0: i32, %arg1: i32, %arg2: memref<1x10x8192xf32, #tpu.memory_space<vmem>>, %arg3: memref<32x10xf32, #tpu.memory_space<vmem>>, %arg4: memref<32x32xf32, #tpu.memory_space<vmem>>, %arg5: memref<32x1xf32, #tpu.memory_space<vmem>>, %arg6: memref<32x1xf32, #tpu.memory_space<vmem>>, %arg7: memref<32x2xf32, #tpu.memory_space<vmem>>) attributes {dimension_semantics = [#tpu.dimension_semantics<arbitrary>, #tpu.dimension_semantics<arbitrary>], iteration_bounds = array<i64: 4, 8>, scalar_prefetch = 0 : i64, scratch_operands = 0 : i64, tpu.core_type = #tpu.core_type<tc>, window_params = [{transform_indices = @transform_0, window_bounds = array<i64: 1, 10, 8192>}, {pipeline_mode = #tpu.pipeline_mode<synchronous>, transform_indices = @transform_1, window_bounds = array<i64: 32, 10>}, {pipeline_mode = #tpu.pipeline_mode<synchronous>, transform_indices = @transform_2, window_bounds = array<i64: 32, 32>}, {pipeline_mode = #tpu.pipeline_mode<synchronous>, transform_indices = @transform_3, window_bounds = array<i64: 32, 1>}, {pipeline_mode = #tpu.pipeline_mode<synchronous>, transform_indices = @transform_4, window_bounds = array<i64: 32, 1>}, {pipeline_mode = #tpu.pipeline_mode<synchronous>, transform_indices = @transform_5, window_bounds = array<i64: 32, 2>}]} {
    %eq3A = arith.constant 0 : i32
    %eq3A_0 = arith.cmpi eq, %arg0, %eq3A : i32
    %eq3A_1 = arith.constant 0 : i32
    %eq3A_2 = arith.cmpi eq, %arg1, %eq3A_1 : i32
    %and3A = arith.andi %eq3A_0, %eq3A_2 : i1
    %convert_element_type3A = arith.extui %and3A : i1 to i32
    %cond3A = arith.constant 0 : i32
    %cond3A_3 = arith.cmpi ne, %convert_element_type3A, %cond3A : i32
    scf.if %cond3A_3 {
      %broadcast_in_dim3A_38 = arith.constant 0.000000e+00 : f32
      %broadcast_in_dim3A_39 = vector.broadcast %broadcast_in_dim3A_38 : f32 to vector<32x2xf32>
      %swap3A_40 = arith.constant 0 : index
      %swap3A_41 = arith.constant 0 : index
      %swap3A_42 = vector.load %arg7[%swap3A_40, %swap3A_41] : memref<32x2xf32, #tpu.memory_space<vmem>>, vector<32x2xf32>
      tpu.vector_store %arg7[%swap3A_40, %swap3A_41], %broadcast_in_dim3A_39 {strides = array<i32>} : memref<32x2xf32, #tpu.memory_space<vmem>>, vector<32x2xf32>,
    } else {
    }
    %get3A = arith.constant 0 : index
    %get3A_4 = arith.constant 0 : index
    %get3A_5 = arith.constant 0 : index
    %get3A_6 = vector.load %arg2[%get3A, %get3A_4, %get3A_5] : memref<1x10x8192xf32, #tpu.memory_space<vmem>>, vector<1x10x8192xf32>
    %get3A_7 = vector.shape_cast %get3A_6 : vector<1x10x8192xf32> to vector<10x8192xf32>
    %get3A_8 = arith.constant 0 : index
    %get3A_9 = arith.constant 0 : index
    %get3A_10 = vector.load %arg3[%get3A_8, %get3A_9] : memref<32x10xf32, #tpu.memory_space<vmem>>, vector<32x10xf32>
    %dot_general3A = arith.constant dense<0.000000e+00> : vector<32x8192xf32>
    %dot_general3A_11 = tpu.matmul %get3A_10, %get3A_7, %dot_general3A {dimension_numbers = #tpu.dot_dimension_numbers<[1], [0], [0], [1], [0, 0, 1, 1], [], []>, transpose_lhs_hint = false} : vector<32x10xf32>, vector<10x8192xf32>, vector<32x8192xf32> -> vector<32x8192xf32>
    %get3A_12 = arith.constant 0 : index
    %get3A_13 = arith.constant 0 : index
    %get3A_14 = vector.load %arg5[%get3A_12, %get3A_13] : memref<32x1xf32, #tpu.memory_space<vmem>>, vector<32x1xf32>
    %mul3A = vector.broadcast %get3A_14 : vector<32x1xf32> to vector<32x8192xf32>
    %mul3A_15 = arith.mulf %dot_general3A_11, %mul3A : vector<32x8192xf32>
    %get3A_16 = arith.constant 0 : index
    %get3A_17 = arith.constant 0 : index
    %get3A_18 = vector.load %arg6[%get3A_16, %get3A_17] : memref<32x1xf32, #tpu.memory_space<vmem>>, vector<32x1xf32>
    %add3A = vector.broadcast %get3A_18 : vector<32x1xf32> to vector<32x8192xf32>
    %add3A_19 = arith.addf %mul3A_15, %add3A : vector<32x8192xf32>
    %max3A = arith.constant 0.000000e+00 : f32
    %max3A_20 = vector.broadcast %max3A : f32 to vector<32x8192xf32>
    %max3A_21 = arith.maximumf %add3A_19, %max3A_20 : vector<32x8192xf32>
    %get3A_22 = arith.constant 0 : index
    %get3A_23 = arith.constant 0 : index
    %get3A_24 = vector.load %arg4[%get3A_22, %get3A_23] : memref<32x32xf32, #tpu.memory_space<vmem>>, vector<32x32xf32>
    %dot_general3A_25 = arith.constant dense<0.000000e+00> : vector<32x8192xf32>
    %dot_general3A_26 = tpu.matmul %get3A_24, %max3A_21, %dot_general3A_25 {dimension_numbers = #tpu.dot_dimension_numbers<[1], [0], [0], [1], [0, 0, 1, 1], [], []>, transpose_lhs_hint = false} : vector<32x32xf32>, vector<32x8192xf32>, vector<32x8192xf32> -> vector<32x8192xf32>
    %reduce_sum3A = arith.constant dense<0.000000e+00> : vector<32xf32>
    %reduce_sum3A_27 = vector.multi_reduction <add>, %dot_general3A_26, %reduce_sum3A [1] : vector<32x8192xf32> to vector<32xf32>
    %broadcast_in_dim3A = vector.shape_cast %reduce_sum3A_27 : vector<32xf32> to vector<32x1xf32>
    %mul3A_28 = arith.mulf %dot_general3A_26, %dot_general3A_26 : vector<32x8192xf32>
    %reduce_sum3A_29 = arith.constant dense<0.000000e+00> : vector<32xf32>
    %reduce_sum3A_30 = vector.multi_reduction <add>, %mul3A_28, %reduce_sum3A_29 [1] : vector<32x8192xf32> to vector<32xf32>
    %broadcast_in_dim3A_31 = vector.shape_cast %reduce_sum3A_30 : vector<32xf32> to vector<32x1xf32>
    %get3A_32 = arith.constant 0 : index
    %get3A_33 = arith.constant 0 : index
    %get3A_34 = vector.load %arg7[%get3A_32, %get3A_33] : memref<32x2xf32, #tpu.memory_space<vmem>>, vector<32x2xf32>
    %concatenate3A = tpu.concatenate %broadcast_in_dim3A, %broadcast_in_dim3A_31 in 1 : vector<32x1xf32>, vector<32x1xf32> -> vector<32x2xf32>
    %add3A_35 = arith.addf %get3A_34, %concatenate3A : vector<32x2xf32>
    %swap3A = arith.constant 0 : index
    %swap3A_36 = arith.constant 0 : index
    %swap3A_37 = vector.load %arg7[%swap3A, %swap3A_36] : memref<32x2xf32, #tpu.memory_space<vmem>>, vector<32x2xf32>
    tpu.vector_store %arg7[%swap3A, %swap3A_36], %add3A_35 {strides = array<i32>} : memref<32x2xf32, #tpu.memory_space<vmem>>, vector<32x2xf32>,
    return
  }
  func.func @transform_0(%arg0: i32, %arg1: i32) -> (i32, i32, i32) {
    %c0_i32 = arith.constant 0 : i32
    %c0_i32_0 = arith.constant 0 : i32
    return %arg0, %c0_i32, %arg1 : i32, i32, i32
  }
  func.func @transform_1(%arg0: i32, %arg1: i32) -> (i32, i32) {
    %c0_i32 = arith.constant 0 : i32
    %c0_i32_0 = arith.constant 0 : i32
    %c0_i32_1 = arith.constant 0 : i32
    return %c0_i32, %c0_i32_0 : i32, i32
  }
  func.func @transform_2(%arg0: i32, %arg1: i32) -> (i32, i32) {
    %c0_i32 = arith.constant 0 : i32
    %c0_i32_0 = arith.constant 0 : i32
    %c0_i32_1 = arith.constant 0 : i32
    return %c0_i32, %c0_i32_0 : i32, i32
  }
  func.func @transform_3(%arg0: i32, %arg1: i32) -> (i32, i32) {
    %c0_i32 = arith.constant 0 : i32
    %c0_i32_0 = arith.constant 0 : i32
    %c0_i32_1 = arith.constant 0 : i32
    return %c0_i32, %c0_i32_0 : i32, i32
  }
  func.func @transform_4(%arg0: i32, %arg1: i32) -> (i32, i32) {
    %c0_i32 = arith.constant 0 : i32
    %c0_i32_0 = arith.constant 0 : i32
    %c0_i32_1 = arith.constant 0 : i32
    return %c0_i32, %c0_i32_0 : i32, i32
  }
  func.func @transform_5(%arg0: i32, %arg1: i32) -> (i32, i32) {
    %c0_i32 = arith.constant 0 : i32
    %c0_i32_0 = arith.constant 0 : i32
    %c0_i32_1 = arith.constant 0 : i32
    return %c0_i32, %c0_i32_0 : i32, i32
  }
}

module attributes {stable_mosaic.version = 14 : i64} {
  func.func @_final_body(%arg0: i32, %arg1: i32, %arg2: memref<1x10x8192xf32, #tpu.memory_space<vmem>>, %arg3: memref<32x10xf32, #tpu.memory_space<vmem>>, %arg4: memref<32x32xf32, #tpu.memory_space<vmem>>, %arg5: memref<32x1xf32, #tpu.memory_space<vmem>>, %arg6: memref<32x1xf32, #tpu.memory_space<vmem>>, %arg7: memref<32x1xf32, #tpu.memory_space<vmem>>, %arg8: memref<32x1xf32, #tpu.memory_space<vmem>>, %arg9: memref<1x32x512x16xf32, #tpu.memory_space<vmem>>) attributes {dimension_semantics = [#tpu.dimension_semantics<arbitrary>, #tpu.dimension_semantics<arbitrary>], iteration_bounds = array<i64: 4, 8>, scalar_prefetch = 0 : i64, scratch_operands = 0 : i64, tpu.core_type = #tpu.core_type<tc>, window_params = [{transform_indices = @transform_0, window_bounds = array<i64: 1, 10, 8192>}, {pipeline_mode = #tpu.pipeline_mode<synchronous>, transform_indices = @transform_1, window_bounds = array<i64: 32, 10>}, {pipeline_mode = #tpu.pipeline_mode<synchronous>, transform_indices = @transform_2, window_bounds = array<i64: 32, 32>}, {pipeline_mode = #tpu.pipeline_mode<synchronous>, transform_indices = @transform_3, window_bounds = array<i64: 32, 1>}, {pipeline_mode = #tpu.pipeline_mode<synchronous>, transform_indices = @transform_4, window_bounds = array<i64: 32, 1>}, {pipeline_mode = #tpu.pipeline_mode<synchronous>, transform_indices = @transform_5, window_bounds = array<i64: 32, 1>}, {pipeline_mode = #tpu.pipeline_mode<synchronous>, transform_indices = @transform_6, window_bounds = array<i64: 32, 1>}, {transform_indices = @transform_7, window_bounds = array<i64: 1, 32, 512, 16>}]} {
    %get3A = arith.constant 0 : index
    %get3A_0 = arith.constant 0 : index
    %get3A_1 = arith.constant 0 : index
    %get3A_2 = vector.load %arg2[%get3A, %get3A_0, %get3A_1] : memref<1x10x8192xf32, #tpu.memory_space<vmem>>, vector<1x10x8192xf32>
    %get3A_3 = vector.shape_cast %get3A_2 : vector<1x10x8192xf32> to vector<10x8192xf32>
    %get3A_4 = arith.constant 0 : index
    %get3A_5 = arith.constant 0 : index
    %get3A_6 = vector.load %arg3[%get3A_4, %get3A_5] : memref<32x10xf32, #tpu.memory_space<vmem>>, vector<32x10xf32>
    %dot_general3A = arith.constant dense<0.000000e+00> : vector<32x8192xf32>
    %dot_general3A_7 = tpu.matmul %get3A_6, %get3A_3, %dot_general3A {dimension_numbers = #tpu.dot_dimension_numbers<[1], [0], [0], [1], [0, 0, 1, 1], [], []>, transpose_lhs_hint = false} : vector<32x10xf32>, vector<10x8192xf32>, vector<32x8192xf32> -> vector<32x8192xf32>
    %get3A_8 = arith.constant 0 : index
    %get3A_9 = arith.constant 0 : index
    %get3A_10 = vector.load %arg5[%get3A_8, %get3A_9] : memref<32x1xf32, #tpu.memory_space<vmem>>, vector<32x1xf32>
    %mul3A = vector.broadcast %get3A_10 : vector<32x1xf32> to vector<32x8192xf32>
    %mul3A_11 = arith.mulf %dot_general3A_7, %mul3A : vector<32x8192xf32>
    %get3A_12 = arith.constant 0 : index
    %get3A_13 = arith.constant 0 : index
    %get3A_14 = vector.load %arg6[%get3A_12, %get3A_13] : memref<32x1xf32, #tpu.memory_space<vmem>>, vector<32x1xf32>
    %add3A = vector.broadcast %get3A_14 : vector<32x1xf32> to vector<32x8192xf32>
    %add3A_15 = arith.addf %mul3A_11, %add3A : vector<32x8192xf32>
    %max3A = arith.constant 0.000000e+00 : f32
    %max3A_16 = vector.broadcast %max3A : f32 to vector<32x8192xf32>
    %max3A_17 = arith.maximumf %add3A_15, %max3A_16 : vector<32x8192xf32>
    %get3A_18 = arith.constant 0 : index
    %get3A_19 = arith.constant 0 : index
    %get3A_20 = vector.load %arg4[%get3A_18, %get3A_19] : memref<32x32xf32, #tpu.memory_space<vmem>>, vector<32x32xf32>
    %dot_general3A_21 = arith.constant dense<0.000000e+00> : vector<32x8192xf32>
    %dot_general3A_22 = tpu.matmul %get3A_20, %max3A_17, %dot_general3A_21 {dimension_numbers = #tpu.dot_dimension_numbers<[1], [0], [0], [1], [0, 0, 1, 1], [], []>, transpose_lhs_hint = false} : vector<32x32xf32>, vector<32x8192xf32>, vector<32x8192xf32> -> vector<32x8192xf32>
    %get3A_23 = arith.constant 0 : index
    %get3A_24 = arith.constant 0 : index
    %get3A_25 = vector.load %arg7[%get3A_23, %get3A_24] : memref<32x1xf32, #tpu.memory_space<vmem>>, vector<32x1xf32>
    %mul3A_26 = vector.broadcast %get3A_25 : vector<32x1xf32> to vector<32x8192xf32>
    %mul3A_27 = arith.mulf %dot_general3A_22, %mul3A_26 : vector<32x8192xf32>
    %get3A_28 = arith.constant 0 : index
    %get3A_29 = arith.constant 0 : index
    %get3A_30 = vector.load %arg8[%get3A_28, %get3A_29] : memref<32x1xf32, #tpu.memory_space<vmem>>, vector<32x1xf32>
    %add3A_31 = vector.broadcast %get3A_30 : vector<32x1xf32> to vector<32x8192xf32>
    %add3A_32 = arith.addf %mul3A_27, %add3A_31 : vector<32x8192xf32>
    %max3A_33 = arith.constant 0.000000e+00 : f32
    %max3A_34 = vector.broadcast %max3A_33 : f32 to vector<32x8192xf32>
    %max3A_35 = arith.maximumf %add3A_32, %max3A_34 : vector<32x8192xf32>
    %reshape3A = vector.shape_cast %max3A_35 : vector<32x8192xf32> to vector<32x512x16xf32>
    %swap3A = arith.constant 0 : index
    %swap3A_36 = arith.constant 0 : index
    %swap3A_37 = arith.constant 0 : index
    %swap3A_38 = arith.constant 0 : index
    %swap3A_39 = vector.load %arg9[%swap3A, %swap3A_36, %swap3A_37, %swap3A_38] : memref<1x32x512x16xf32, #tpu.memory_space<vmem>>, vector<1x32x512x16xf32>
    %swap3A_40 = vector.shape_cast %swap3A_39 : vector<1x32x512x16xf32> to vector<32x512x16xf32>
    %swap3A_41 = vector.shape_cast %reshape3A : vector<32x512x16xf32> to vector<1x32x512x16xf32>
    tpu.vector_store %arg9[%swap3A, %swap3A_36, %swap3A_37, %swap3A_38], %swap3A_41 {strides = array<i32>} : memref<1x32x512x16xf32, #tpu.memory_space<vmem>>, vector<1x32x512x16xf32>,
    return
  }
  func.func @transform_0(%arg0: i32, %arg1: i32) -> (i32, i32, i32) {
    %c0_i32 = arith.constant 0 : i32
    %c0_i32_0 = arith.constant 0 : i32
    return %arg0, %c0_i32, %arg1 : i32, i32, i32
  }
  func.func @transform_1(%arg0: i32, %arg1: i32) -> (i32, i32) {
    %c0_i32 = arith.constant 0 : i32
    %c0_i32_0 = arith.constant 0 : i32
    %c0_i32_1 = arith.constant 0 : i32
    return %c0_i32, %c0_i32_0 : i32, i32
  }
  func.func @transform_2(%arg0: i32, %arg1: i32) -> (i32, i32) {
    %c0_i32 = arith.constant 0 : i32
    %c0_i32_0 = arith.constant 0 : i32
    %c0_i32_1 = arith.constant 0 : i32
    return %c0_i32, %c0_i32_0 : i32, i32
  }
  func.func @transform_3(%arg0: i32, %arg1: i32) -> (i32, i32) {
    %c0_i32 = arith.constant 0 : i32
    %c0_i32_0 = arith.constant 0 : i32
    %c0_i32_1 = arith.constant 0 : i32
    return %c0_i32, %c0_i32_0 : i32, i32
  }
  func.func @transform_4(%arg0: i32, %arg1: i32) -> (i32, i32) {
    %c0_i32 = arith.constant 0 : i32
    %c0_i32_0 = arith.constant 0 : i32
    %c0_i32_1 = arith.constant 0 : i32
    return %c0_i32, %c0_i32_0 : i32, i32
  }
  func.func @transform_5(%arg0: i32, %arg1: i32) -> (i32, i32) {
    %c0_i32 = arith.constant 0 : i32
    %c0_i32_0 = arith.constant 0 : i32
    %c0_i32_1 = arith.constant 0 : i32
    return %c0_i32, %c0_i32_0 : i32, i32
  }
  func.func @transform_6(%arg0: i32, %arg1: i32) -> (i32, i32) {
    %c0_i32 = arith.constant 0 : i32
    %c0_i32_0 = arith.constant 0 : i32
    %c0_i32_1 = arith.constant 0 : i32
    return %c0_i32, %c0_i32_0 : i32, i32
  }
  func.func @transform_7(%arg0: i32, %arg1: i32) -> (i32, i32, i32, i32) {
    %c0_i32 = arith.constant 0 : i32
    %c0_i32_0 = arith.constant 0 : i32
    %c0_i32_1 = arith.constant 0 : i32
    return %arg0, %c0_i32, %arg1, %c0_i32_0 : i32, i32, i32, i32
  }
}

</mosaic_0001>

<sc_bundles>
// kernel: kernel.7.cloned.1.call-start
scs
__scs_entry_jumppad:
0x0: {  	(pc) =	sbr.rel $0x88, $3  }
0x1: {  	(tag) =	ssettag $0x0;
	lr =	simm.s32 $0x1  }
0x2: {  	[smem:$0x3F9A] =	sst lr;
	_ =	strace $0xD0000000  }
0x3: {  	_ = 	snop  }
0x4: {  	_ = 	snop  }
0x5: {  	_ = 	snop  }
0x6: {  	_ = 	snop  }
0x7: {  	_ = 	snop  }
__scs_overlays_trampoline_lowered:
0x8: {  	[smem:$0x3FA9] =	sst s0  }
0x9: {  	[smem:$0x3FAA] =	sst s1  }
0xa: {  	[smem:$0x3FAB] =	sst s2  }
0xb: {  	[smem:$0x3FAC] =	sst s3  }
0xc: {  	[smem:$0x3FAD] =	sst s4  }
0xd: {  	[smem:$0x3FAE] =	sst s5  }
0xe: {  	[smem:$0x3FAF] =	sst s6  }
0xf: {  	[smem:$0x3FB0] =	sst s7  }
0x10: {  	[smem:$0x3FB1] =	sst s8  }
0x11: {  	[smem:$0x3FB2] =	sst s9;
	s0 =	simm.s32 @!p0 $0x0  }
0x12: {  	s1 =	sld [smem:$0x3F98];
	s0 =	simm.s32 @p0 $0x1  }
0x13: {  	[smem:$0x3FB3] =	sst s0;
	s0 =	simm.s32 @!p1 $0x0  }
0x14: {  	s2 =	sld [smem:$0x3F97];
	s0 =	simm.s32 @p1 $0x1  }
0x15: {  	[smem:$0x3FB4] =	sst s0;
	s0 =	simm.s32 @!p2 $0x0  }
0x16: {  	s3 =	sld [smem:$0x3FDB];
	s0 =	simm.s32 @p2 $0x1  }
0x17: {  	s4 =	simm.s32 $0x1BF5;
	[smem:$0x3FB6] =	sst s0  }
0x18: {  	s0 =	sld [smem:$0x3F99];
	_ =	swait.ge [sflag:s4], $0x0  }
0x19: {  	s7 =	sld [smem:$0x3F9A]  }
0x1a: {  	s8 =	sadd.s32 $0xFFFFE003, lr  }
0x1b: {  	s9 =	sadd.s32 $0xFFFFFEF7, lr;
	s5 =	simm.s32 $0xFFFFFFFF;
	p2 =	slt.u32 s8, $0xFFFFF086  }
0x1c: {  	p1 =	slt.u32 s9, $0xF7A;
	s5 =	simm.s32 @!p2 $0x0  }
0x1d: {  	s5 =	simm.s32 @p1 $0x1;
	p0 =	seq.s32 s7, s2  }
0x1e: {  	s7 =	smul.u32 @!p0 $0xF7A, s2;
	p2 =	seq.s32 @!p0 s5, $0x0  }
0x1f: {  	s9 =	smul.u32 $0xF7A, s1;
	s8 =	simm.s32 @!p0 $0x1BF5;
	p2 =	por !p2, p0  }
0x20: {  	[sflag:s8] =	ssyncset.s32 @!p0 $0xFFFFF086;
	s6 =	sadd.s32 @!p0 s3, s7;
	s7 =	simm.s32 @!p0 $0x108  }
0x21: {  	s3 =	sadd.s32 s3, s9;
	s6 =	sadd.s32 @!p0 $0x88, s6;
	s7 =	simm.s32 @p2 $0x1082  }
0x22: {  	[simem:s7], [sflag:s8] =	dma.local @!p0 [hbm:s6], $0xF7A  }
0x23: {  	s9 =	sor.u32 $0xD0000000, s2;
	s6 =	simm.s32 $0x108;
	_ =	swait.ge @!p0 [sflag:s8], $0x0  }
0x24: {  	s3 =	sadd.s32 $0x88, s3;
	s6 =	simm.s32 @!p1 $0x1082;
	[sflag:s4] =	ssyncset.s32 $0xFFFFF086  }
0x25: {  	[simem:s6], [sflag:s4] =	dma.local [hbm:s3], $0xF7A  }
0x26: {  	[smem:$0x3F9A] =	sst s1;
	(tag) =	ssettag s2;
	_ =	strace s9  }
0x27: {  	s1 =	sld [smem:$0x3FAA]  }
0x28: {  	s2 =	sld [smem:$0x3FAB]  }
0x29: {  	s4 =	sld [smem:$0x3FAD]  }
0x2a: {  	p0 =	seq.s32 s5, $0x0;
	s5 =	sld [smem:$0x3FAE]  }
0x2b: {  	s6 =	sld [smem:$0x3FAF]  }
0x2c: {  	s7 =	sld [smem:$0x3FB0]  }
0x2d: {  	s3 =	simm.s32 $0x108;
	s8 =	sld [smem:$0x3FB1]  }
0x2e: {  	s3 =	simm.s32 @!p0 $0x1082;
	s9 =	sld [smem:$0x3FB2]  }
0x2f: {  	lr =	sadd.s32 s0, s3;
	s0 =	sld [smem:$0x3FA9]  }
0x30: {  	s3 =	sld [smem:$0x3FAC]  }
0x31: {  	[smem:$0x3FB5] =	sst s10  }
0x32: {  	s10 =	sld [smem:$0x3FB3];
	_ =	sdelay $0x3  }
0x33: {  	p0 =	seq.s32 s10, $0x1;
	s10 =	sld [smem:$0x3FB5];
	_ =	sdelay $0x3  }
0x34: {  	[smem:$0x3FB5] =	sst s10  }
0x35: {  	s10 =	sld [smem:$0x3FB4];
	_ =	sdelay $0x3  }
0x36: {  	p1 =	seq.s32 s10, $0x1;
	s10 =	sld [smem:$0x3FB5];
	_ =	sdelay $0x3  }
0x37: {  	[smem:$0x3FB5] =	sst s10  }
0x38: {  	s10 =	sld [smem:$0x3FB6]  }
0x39: {  	_ = 	snop;
	(pc) =	sbr.ind lr, $3  }
0x3a: {  	_ = 	snop  }
0x3b: {  	_ = 	snop  }
0x3c: {  	p2 =	seq.s32 s10, $0x1;
	s10 =	sld [smem:$0x3FB5]  }
0x3d: {  	_ =	shalt  }
0x3e: {  	_ =	shalt  }
0x3f: {  	_ =	shalt  }
0x40: {  	_ =	shalt  }
0x41: {  	_ =	shalt  }
0x42: {  	_ =	shalt  }
0x43: {  	_ =	shalt  }
0x44: {  	_ =	shalt  }
0x45: {  	_ =	shalt  }
0x46: {  	_ =	shalt  }
0x47: {  	_ =	shalt  }
0x48: {  	_ =	shalt  }
0x49: {  	_ =	shalt  }
0x4a: {  	_ =	shalt  }
0x4b: {  	_ =	shalt  }
0x4c: {  	_ =	shalt  }
0x4d: {  	_ =	shalt  }
0x4e: {  	_ =	shalt  }
0x4f: {  	_ =	shalt  }
0x50: {  	_ =	shalt  }
0x51: {  	_ =	shalt  }
0x52: {  	_ =	shalt  }
0x53: {  	_ =	shalt  }
0x54: {  	_ =	shalt  }
0x55: {  	_ =	shalt  }
0x56: {  	_ =	shalt  }
0x57: {  	_ =	shalt  }
0x58: {  	_ =	shalt  }
0x59: {  	_ =	shalt  }
0x5a: {  	_ =	shalt  }
0x5b: {  	_ =	shalt  }
0x5c: {  	_ =	shalt  }
0x5d: {  	_ =	shalt  }
0x5e: {  	_ =	shalt  }
0x5f: {  	_ =	shalt  }
0x60: {  	_ =	shalt  }
0x61: {  	_ =	shalt  }
0x62: {  	_ =	shalt  }
0x63: {  	_ =	shalt  }
0x64: {  	_ =	shalt  }
0x65: {  	_ =	shalt  }
0x66: {  	_ =	shalt  }
0x67: {  	_ =	shalt  }
0x68: {  	_ =	shalt  }
0x69: {  	_ =	shalt  }
0x6a: {  	_ =	shalt  }
0x6b: {  	_ =	shalt  }
0x6c: {  	_ =	shalt  }
0x6d: {  	_ =	shalt  }
0x6e: {  	_ =	shalt  }
0x6f: {  	_ =	shalt  }
0x70: {  	_ =	shalt  }
0x71: {  	_ =	shalt  }
0x72: {  	_ =	shalt  }
0x73: {  	_ =	shalt  }
0x74: {  	_ =	shalt  }
0x75: {  	_ =	shalt  }
0x76: {  	_ =	shalt  }
0x77: {  	_ =	shalt  }
0x78: {  	_ =	shalt  }
0x79: {  	_ =	shalt  }
0x7a: {  	_ =	shalt  }
0x7b: {  	_ =	shalt  }
0x7c: {  	_ =	shalt  }
0x7d: {  	_ =	shalt  }
0x7e: {  	_ =	shalt  }
0x7f: {  	_ =	shalt  }
0x80: {  	_ =	shalt  }
0x81: {  	_ =	shalt  }
0x82: {  	_ =	shalt  }
0x83: {  	_ =	shalt  }
0x84: {  	_ =	shalt  }
0x85: {  	_ =	shalt  }
0x86: {  	_ =	shalt  }
0x87: {  	_ =	shalt  }
.Lfunc_end0:
.L_simem_size_0:
called_computation_lowered:
.L_overlay_start_0:
0x88: {  	s2 =	sld [smem:$0x3FD9]  }
0x89: {  	s3 =	sld [smem:$0x3FFE];
	_ =	sdelay $0x1  }
0x8a: {  	s1 =	srdreg.scid  }
0x8b: {  	s0 =	sand.u32 $0x1, s1  }
0x8c: {  	s17 =	sshll.u32 s0, $0xA;
	s2 =	sadd.s32 s3, s2  }
0x8d: {  	s2 =	sadd.s32 s2, s17  }
0x8e: {  	[smem:$0x3FC1] =	sst s2  }
0x8f: {  	_ = 	snop  }
0x90: {  	s2 =	sld [smem:$0x3FD0];
	(tm) =	ssettm $0x1  }
0x91: {  	s18 =	sld [smem:$0x3FFB];
	_ =	sdelay $0x3  }
0x92: {  	_ =	strace s18  }
0x93: {  	s3 =	sld [smem:$0x3FFC];
	_ =	sdelay $0x3  }
0x94: {  	_ =	strace s3  }
0x95: {  	s3 =	sld [smem:$0x3FFD];
	_ =	sdelay $0x3  }
0x96: {  	_ =	strace s3  }
0x97: {  	_ =	strace $0x8FFFFFFF  }
0x98: {  	s19 =	sld [smem:$0x3FDB];
	_ =	sdelay $0x1  }
0x99: {  	s4 =	simm.s32 $_scs_section_size  }
0x9a: {  	s5 =	simm.s32 $_size__tile_overlayer_lowered;
	s6 =	simm.s32 $_tile_overlayer_lowered  }
0x9b: {  	s22 =	simm.s32 $0x1BFF;
	s21 =	sshll.u32 s6, $0x1;
	s3 =	sadd.s32 s4, s19  }
0x9c: {  	s7 =	simm.s32 $0x0;
	s20 =	sshll.u32 s5, $0x1;
	s5 =	sadd.s32 s21, s3  }
0x9d: {  	[timem:s7], [sflag:s22] =	dma.local [hbm:s5], s20  }
0x9e: {  	_ =	swait.ge [sflag:s22], s20  }
0x9f: {  	s4 =	ssub.s32 $0x0, s20;
	[sflag:s22] =	ssyncset.done $0x0  }
0xa0: {  	[sflag:s22] =	ssyncadd.s32 s4;
	_ =	sdelay $0x1  }
0xa1: {  	s23 =	simm.s32 $0x1B8B  }
0xa2: {  	_ =	swait.ge [sflag:s23], $0x1  }
0xa3: {  	[sflag:s23] =	ssyncset.done $0x0  }
0xa4: {  	s25 =	simm.s32 $0x1B8E;
	s24 =	sld [smem:$0x3FFE];
	[sflag:s23] =	ssyncadd.s32 $0xFFFFFFFF  }
0xa5: {  	s26 =	simm.s32 $execute0_lowered;
	[smem:$0x3FD2] =	sst s25  }
0xa6: {  	s5 =	sshll.u32 s26, $0x1;
	_ =	strace $0x80000046;
	[dreg:$0x1] =	wrdreg $0xFFFFFFFF  }
0xa7: {  	s28 =	simm.s32 $_size_execute0_lowered;
	s3 =	sadd.s32 s3, s5;
	[dreg:$0x0] =	wrdreg $0x0  }
0xa8: {  	s5 =	sshll.u32 s28, $0x1;
	[dreg:$0x2] =	wrdreg s3  }
0xa9: {  	[dreg:$0x3] =	wrdreg s5  }
0xaa: {  	[dreg:$0x4] =	wrdreg $0xC0  }
0xab: {  	_ =	task [dreg:s7], $0x5FFFF  }
0xac: {  	[dreg:$0x1] =	wrdreg $0xFFFFFFFF  }
0xad: {  	[dreg:$0x0] =	wrdreg $0x60  }
0xae: {  	[dreg:$0x2] =	wrdreg s24  }
0xaf: {  	[dreg:$0x3] =	wrdreg s2  }
0xb0: {  	[dreg:$0x4] =	wrdreg $0x9  }
0xb1: {  	_ =	task.clear_ibuf [dreg:s7], $0x5FFFF;
	_ =	strace $0x90000046  }
0xb2: {  	s29 =	simm.s32 $0x9;
	_ =	strace $0x80000048  }
0xb3: {  	_ =	swait.ge [sflag:s29], $0x1  }
0xb4: {  	[sflag:s29] =	ssyncadd.s32 $0xFFFFFFFF  }
0xb5: {  	_ =	strace $0x90000048  }
0xb6: {  	_ =	sfence  }
0xb7: {  	s30 =	sld [smem:$0x0];
	_ =	sdelay $0x2  }
0xb8: {  	s31 =	sshll.u32 s1, $0xD;
	s1 =	sshrl.u32 s1, $0x2  }
0xb9: {  	s3 =	sand.u32 $0x4000, s31;
	s1 =	sadd.s32 s1, s30  }
0xba: {  	s0 =	sor.u32 s3, s0;
	s1 =	sshll.u32 s1, $0x11  }
0xbb: {  	s0 =	sor.u32 s1, s0  }
0xbc: {  	s0 =	sadd.s32 $0x8F2B, s0  }
0xbd: {  	[sflag:s0] =	ssyncadd.remote.s32 $0x1  }
0xbe: {  	_ =	sfence.sel $0xFFFF  }
0xbf: {  	[dreg:$0x0] =	wrdreg $0xFFFFFFFF;
	(pc) =	sbr.abs _section_cstart, $3  }
0xc0: {  	[dreg:$0x1] =	wrdreg $0xFFFFFFFF  }
0xc1: {  	_ =	task.clear_ibuf [dreg:s7], $0x2FFFF;
	_ =	strace $0x9FFFFFFF  }
0xc2: {  	(tm) =	ssettm $0x7FFFFFFF  }
0xc3: {  	_ =	shalt  }
tec
execute0_lowered:
.L_overlay_start_1:
0x0: {  	(tag) =	ssettag $0x1  }
0x1: {  	s0 =	rddreg [dreg:$0x0]  }
0x2: {  	s1 =	rddreg [dreg:$0x1]  }
0x3: {  	s19 =	stileid.u32;
	s3 =	srdreg.scid;
	s2 =	simm.s32 $0x0  }
0x4: {  	s30 =	simm.s32 $0x13000;
	s31 =	simm.s32 $0x15000;
	s4 =	sshll.u32 s19, $0x1  }
0x5: {  	s18 =	sand.u32 $0x1, s3;
	[smem:$0x7FF] =	sst s2;
	s14 =	sshrl.u32 s19, $0x2  }
0x6: {  	s6 =	sadd.s32 $0x200, s0;
	s28 =	sand.u32 $0x3, s19;
	s19 =	simm.s32 $0x1  }
0x7: {  	s13 =	sand.u32 $0x6, s4;
	_ =	strace $0x80000047;
	s7 =	smul.u32 $0x3000, s14  }
0x8: {  	s15 =	sshll.u32 s14, $0x10;
	s8 =	ssub.s32 $0x2, s18;
	s9 =	smul.u32 $0x600, s14  }
0x9: {  	s11 =	smul.u32 $0xA0000, s14;
	s29 =	sshll.u32 s18, $0x9;
	s3 =	sor.u32 s18, s13  }
0xa: {  	s10 =	sshrl.u32 s8, $0x1;
	s5 =	sshll.u32 s3, $0xD;
	s7 =	sshrl.u32 s7, $0x3  }
0xb: {  	s17 =	ssub.s32 s8, s10;
	s3 =	sor.u32 s15, s5;
	s7 =	sadd.s32 s6, s7  }
0xc: {  	s14 =	sor.u32 s11, s5;
	s17 =	smax.u32 s17, $0x1;
	s3 =	sshrl.u32 s3, $0x3  }
0xd: {  	s4 =	sadd.s32 $0x200, s7;
	s5 =	sadd.s32 $0x400, s7;
	s16 =	sshrl.u32 s14, $0x3  }
0xe: {  	s20 =	sadd.s32 $0x20000, s14;
	s21 =	sadd.s32 $0x30000, s14;
	s23 =	sadd.s32 $0x40000, s14  }
0xf: {  	s12 =	sadd.s32 $0x50000, s14;
	s13 =	sadd.s32 $0x60000, s14;
	s25 =	sadd.s32 $0x70000, s14  }
0x10: {  	s15 =	sadd.s32 $0x80000, s14;
	s0 =	sadd.s32 s3, s0;
	s3 =	sadd.s32 s6, s9  }
0x11: {  	s7 =	sadd.s32 s1, s16;
	s22 =	sshrl.u32 s21, $0x3;
	s24 =	sshrl.u32 s12, $0x3  }
0x12: {  	s13 =	sshrl.u32 s13, $0x3;
	s16 =	sadd.s32 $0x90000, s14;
	s26 =	sshrl.u32 s15, $0x3  }
0x13: {  	s21 =	simm.s32 $0x2000;
	s6 =	sadd.s32 $0x1A00, s0;
	s8 =	sadd.s32 $0x2000, s7  }
0x14: {  	s0 =	sshrl.u32 s20, $0x3;
	s10 =	sadd.s32 s1, s22;
	s12 =	sadd.s32 s1, s24  }
0x15: {  	s13 =	sadd.s32 s1, s13;
	s16 =	sshrl.u32 s16, $0x3;
	s15 =	sadd.s32 s1, s26  }
0x16: {  	s20 =	simm.s32 $0x1000;
	s9 =	sadd.s32 s1, s0;
	s0 =	sshrl.u32 s23, $0x3  }
0x17: {  	s22 =	simm.s32 $0x5000;
	s11 =	sadd.s32 s1, s0;
	s0 =	sshrl.u32 s25, $0x3  }
0x18: {  	s16 =	sadd.s32 s1, s16;
	s14 =	sadd.s32 s1, s0;
	s0 =	sshll.u32 s28, $0xA  }
0x19: {  	s1 =	simm.s32 $0x0;
	s26 =	sor.u32 s29, s0;
	s0 =	simm.s32 $0x17000  }
.LBB2_1:
0x1a: {  	[tilespmem:s2], [sflag:$0x1] =	stream.linear.gather [hbm4b:s3+s2], $0x1000, $0x38;
	[tilespmem:$0x19000] =	vst v63  }
0x1b: {  	_ =	swait.ge [sflag:s19], $0x1000  }
0x1c: {  	[sflag:s19] =	ssyncset.done $0x0  }
0x1d: {  	[sflag:s19] =	ssyncadd.s32 $0xFFFFF000  }
0x1e: {  	[tilespmem:s20], [sflag:$0x1] =	stream.linear.gather [hbm4b:s4+s2], $0x1000, $0x38;
	[tilespmem:$0x19000] =	vst v63  }
0x1f: {  	_ =	swait.ge [sflag:s19], $0x1000  }
0x20: {  	[sflag:s19] =	ssyncset.done $0x0  }
0x21: {  	[sflag:s19] =	ssyncadd.s32 $0xFFFFF000  }
0x22: {  	[tilespmem:s21], [sflag:$0x1] =	stream.linear.gather [hbm4b:s5+s2], $0x1000, $0x38;
	[tilespmem:$0x19000] =	vst v63  }
0x23: {  	_ =	swait.ge [sflag:s19], $0x1000  }
0x24: {  	[sflag:s19] =	ssyncset.done $0x0  }
0x25: {  	s23 =	simm.s32 $0x3000;
	[sflag:s19] =	ssyncadd.s32 $0xFFFFF000  }
0x26: {  	[tilespmem:s23], [sflag:$0x1] =	stream.linear.gather [hbm4b:s6+s2], $0x2000, $0x38;
	[tilespmem:$0x19000] =	vst v63  }
0x27: {  	_ =	swait.ge [sflag:s19], $0x2000  }
0x28: {  	[sflag:s19] =	ssyncset.done $0x0  }
0x29: {  	[sflag:s19] =	ssyncadd.s32 $0xFFFFE000  }
0x2a: {  	v2 =	vld [tilespmem:s23+$0x0]  }
0x2b: {  	v1 =	vmov s26;
	_ =	sdelay $0x4  }
0x2c: {  	v0 =	vld.idx.msk [tilespmem:v1+s20+$0x0], $0xffff  }
0x2d: {  	v3 =	vld.idx.msk [tilespmem:v1+s2+$0x0], $0xffff  }
0x2e: {  	v4 =	vld.idx.msk [tilespmem:v2+s2+$0x0], $0xffff  }
0x2f: {  	v5 =	vld.idx.msk [tilespmem:v2+s20+$0x0], $0xffff  }
0x30: {  	v2 =	vld.idx.msk [tilespmem:v2+s21+$0x0], $0xffff  }
0x31: {  	v1 =	vld.idx.msk [tilespmem:v1+s21+$0x0], $0xffff  }
0x32: {  	s28 =	sand.u32 $0x1FF0, s2;
	[tilespmem:s22+$0x0] =	vst v3  }
0x33: {  	[tilespmem:s28+$0xB000] =	vst v4  }
0x34: {  	v3 =	vsub.f32 v4, v3;
	v4 =	vsub.f32 v5, v0;
	[tilespmem:s28+$0xD000] =	vst v5  }
0x35: {  	[tilespmem:s28+$0xF000] =	vst v2  }
0x36: {  	v5 =	vsub.f32 v2, v1;
	[tilespmem:s28+$0x11000] =	vst v3;
	v3 =	vmul.f32 v3, v3;
	v6 =	vmul.f32 v4, v4  }
0x37: {  	[tilespmem:s28+$0x13000] =	vst v4  }
0x38: {  	s24 =	simm.s32 $0x10;
	s25 =	simm.s32 $0x5000;
	s18 =	smov.u32 s26;
	[tilespmem:s28+$0x15000] =	vst v5;
	v2 =	vadd.f32 v6, v3;
	v3 =	vmul.f32 v5, v5  }
.LBB2_2:
0x39: {  	[tilespmem:s28+$0x9000] =	vst v1;
	s23 =	sadd.s32 $0x10, s23;
	s25 =	sadd.s32 $0x10, s25;
	s18 =	sadd.s32 $0x1, s18  }
0x3a: {  	p0 =	sne.s32 s24, $0x1FF0;
	s29 =	smov.u32 s24;
	s24 =	sadd.s32 $0x10, s24;
	v1 =	vadd.f32 v3, v2;
	[tilespmem:s28+$0x7000] =	vst v0  }
0x3b: {  	_ = 	snop  }
0x3c: {  	[tilespmem:s28+$0x17000] =	vst v1  }
0x3d: {  	v2 =	vld [tilespmem:s23+$0x0]  }
0x3e: {  	v1 =	vmov s18;
	_ =	sdelay $0x4  }
0x3f: {  	v0 =	vld.idx.msk [tilespmem:v1+s20+$0x0], $0xffff  }
0x40: {  	v3 =	vld.idx.msk [tilespmem:v1+s2+$0x0], $0xffff  }
0x41: {  	v4 =	vld.idx.msk [tilespmem:v2+s2+$0x0], $0xffff  }
0x42: {  	v5 =	vld.idx.msk [tilespmem:v2+s20+$0x0], $0xffff  }
0x43: {  	v1 =	vld.idx.msk [tilespmem:v1+s21+$0x0], $0xffff  }
0x44: {  	v2 =	vld.idx.msk [tilespmem:v2+s21+$0x0], $0xffff;
	_ =	sdelay $0x1  }
0x45: {  	s28 =	sand.u32 $0x1FF0, s29;
	[tilespmem:s25+$0x0] =	vst v3  }
0x46: {  	v3 =	vsub.f32 v4, v3;
	[tilespmem:s28+$0xB000] =	vst v4  }
.Ltmp0:
0x47: {  	v4 =	vsub.f32 v5, v0;
	[tilespmem:s28+$0xD000] =	vst v5;
	(pc) =	sbr.rel @p0 .LBB2_2-.Ltmp0, $4  }
0x48: {  	[tilespmem:s28+$0x11000] =	vst v3  }
0x49: {  	v5 =	vsub.f32 v2, v1;
	v3 =	vmul.f32 v3, v3;
	v6 =	vmul.f32 v4, v4;
	[tilespmem:s28+$0x13000] =	vst v4  }
0x4a: {  	[tilespmem:s28+$0xF000] =	vst v2  }
0x4b: {  	v2 =	vadd.f32 v6, v3;
	v3 =	vmul.f32 v5, v5;
	[tilespmem:s28+$0x15000] =	vst v5  }
0x4c: {  	_ = 	snop  }
0x4d: {  	[tilespmem:s28+$0x9000] =	vst v1;
	v63 =	vadd.f32 v3, v2  }
0x4e: {  	[tilespmem:s28+$0x7000] =	vst v0  }
0x4f: {  	[tilespmem:s28+$0x17000] =	vst v63  }
0x50: {  	[hbm4b:s7+s2] =	stream.linear.scatter [tilespmem:s22], [sflag:$0x1], $0x2000, $0x38;
	[tilespmem:$0x19000] =	vst v63  }
0x51: {  	_ =	swait.ge [sflag:s19], $0x2000  }
0x52: {  	[sflag:s19] =	ssyncset.done $0x0  }
0x53: {  	s18 =	simm.s32 $0x7000;
	[sflag:s19] =	ssyncadd.s32 $0xFFFFE000  }
0x54: {  	[hbm4b:s8+s2] =	stream.linear.scatter [tilespmem:s18], [sflag:$0x1], $0x2000, $0x38;
	[tilespmem:$0x19000] =	vst v63  }
0x55: {  	_ =	swait.ge [sflag:s19], $0x2000  }
0x56: {  	[sflag:s19] =	ssyncset.done $0x0  }
0x57: {  	s23 =	simm.s32 $0x9000;
	[sflag:s19] =	ssyncadd.s32 $0xFFFFE000  }
0x58: {  	[hbm4b:s9+s2] =	stream.linear.scatter [tilespmem:s23], [sflag:$0x1], $0x2000, $0x38;
	[tilespmem:$0x19000] =	vst v63  }
0x59: {  	_ =	swait.ge [sflag:s19], $0x2000  }
0x5a: {  	[sflag:s19] =	ssyncset.done $0x0  }
0x5b: {  	s24 =	simm.s32 $0xB000;
	[sflag:s19] =	ssyncadd.s32 $0xFFFFE000  }
0x5c: {  	[hbm4b:s10+s2] =	stream.linear.scatter [tilespmem:s24], [sflag:$0x1], $0x2000, $0x38;
	[tilespmem:$0x19000] =	vst v63  }
0x5d: {  	_ =	swait.ge [sflag:s19], $0x2000  }
0x5e: {  	[sflag:s19] =	ssyncset.done $0x0  }
0x5f: {  	s25 =	simm.s32 $0xD000;
	[sflag:s19] =	ssyncadd.s32 $0xFFFFE000  }
0x60: {  	[hbm4b:s11+s2] =	stream.linear.scatter [tilespmem:s25], [sflag:$0x1], $0x2000, $0x38;
	[tilespmem:$0x19000] =	vst v63  }
0x61: {  	_ =	swait.ge [sflag:s19], $0x2000  }
0x62: {  	[sflag:s19] =	ssyncset.done $0x0  }
0x63: {  	s28 =	simm.s32 $0xF000;
	[sflag:s19] =	ssyncadd.s32 $0xFFFFE000  }
0x64: {  	[hbm4b:s12+s2] =	stream.linear.scatter [tilespmem:s28], [sflag:$0x1], $0x2000, $0x38;
	[tilespmem:$0x19000] =	vst v63  }
0x65: {  	_ =	swait.ge [sflag:s19], $0x2000  }
0x66: {  	[sflag:s19] =	ssyncset.done $0x0  }
0x67: {  	s29 =	simm.s32 $0x11000;
	[sflag:s19] =	ssyncadd.s32 $0xFFFFE000  }
0x68: {  	[hbm4b:s13+s2] =	stream.linear.scatter [tilespmem:s29], [sflag:$0x1], $0x2000, $0x38;
	[tilespmem:$0x19000] =	vst v63  }
0x69: {  	_ =	swait.ge [sflag:s19], $0x2000  }
0x6a: {  	[sflag:s19] =	ssyncset.done $0x0  }
0x6b: {  	[sflag:s19] =	ssyncadd.s32 $0xFFFFE000  }
0x6c: {  	[hbm4b:s14+s2] =	stream.linear.scatter [tilespmem:s30], [sflag:$0x1], $0x2000, $0x38;
	[tilespmem:$0x19000] =	vst v63  }
0x6d: {  	_ =	swait.ge [sflag:s19], $0x2000  }
0x6e: {  	[sflag:s19] =	ssyncset.done $0x0  }
0x6f: {  	[sflag:s19] =	ssyncadd.s32 $0xFFFFE000  }
0x70: {  	[hbm4b:s15+s2] =	stream.linear.scatter [tilespmem:s31], [sflag:$0x1], $0x2000, $0x38;
	[tilespmem:$0x19000] =	vst v63  }
0x71: {  	s1 =	sadd.s32 $0x1, s1;
	_ =	swait.ge [sflag:s19], $0x2000  }
0x72: {  	p0 =	sne.s32 s1, s17;
	[sflag:s19] =	ssyncset.done $0x0  }
.Ltmp1:
0x73: {  	[sflag:s19] =	ssyncadd.s32 $0xFFFFE000;
	(pc) =	sbr.rel @p0 .LBB2_1-.Ltmp1, $4  }
0x74: {  	[hbm4b:s16+s2] =	stream.linear.scatter [tilespmem:s0], [sflag:$0x1], $0x2000, $0x38;
	[tilespmem:$0x19000] =	vst v63  }
0x75: {  	_ =	swait.ge [sflag:s19], $0x2000  }
0x76: {  	[sflag:s19] =	ssyncset.done $0x0  }
0x77: {  	[sflag:s19] =	ssyncadd.s32 $0xFFFFE000  }
0x78: {  	_ =	sfence.sel $0x180000  }
0x79: {  	[bflag:$0x0] =	sbarrier.arrive $0xFFFF  }
0x7a: {  	_ =	strace $0x90000047  }
0x7b: {  	s0 =	stileid.u32;
	[bflag:$0x2] =	sbarrier.arrive $0xFFFF  }
0x7c: {  	p0 =	sne.s32 s0, $0x0;
	s0 =	rddreg [dreg:$0x2]  }
0x7d: {  	s0 =	sadd.s32 @!p0 $0x100000, s0  }
0x7e: {  	[sflag:s0] =	ssyncadd.tile.s32 @!p0 $0x1;
	_ =	shalt  }
.Lfunc_end2:
_tile_overlayer_lowered:
.L_overlay_start_2:
0x7f: {  	(tag) =	ssettag $0x2  }
0x80: {  	s0 =	rddreg [dreg:$0x0];
	s2 =	stileid.u32  }
0x81: {  	s1 =	rddreg [dreg:$0x1];
	p0 =	sne.s32 s2, $0x0  }
0x82: {  	s3 =	rddreg [dreg:$0x2];
	[bflag:$0x3] =	sbarrier.arrive $0xFFFF;
	s2 =	simm.s32 @!p0 $0x1C01  }
0x83: {  	[timem:s3], [sflag:s2] =	dma.local @!p0 [hbm:s0], s1  }
0x84: {  	s0 =	simm.s32 @!p0 $0x1  }
0x85: {  	_ =	swait.ge @!p0 [sflag:s0], s1  }
0x86: {  	s1 =	ssub.s32 @!p0 $0x0, s1;
	[sflag:s0] =	ssyncset.done @!p0 $0x0  }
0x87: {  	[sflag:s0] =	ssyncadd.s32 @!p0 s1  }
0x88: {  	[bflag:$0x3] =	sbarrier.arrive $0xFFFF  }
0x89: {  	_ =	shalt  }

</sc_bundles>
